<compile_context>
chip_gen: v7x
topology: tpu7x:2x2x1
jax: 0.10.2.dev20260603
libtpu: 0.0.44.dev20260713+nightly
codegen_flags: <defaults>
</compile_context>

<pallas_src>
import dataclasses

import jax
import jax.numpy as jnp
from jax import lax
from jax.experimental import pallas as pl
from jax.experimental.pallas import tpu as pltpu
from jax.experimental.pallas import tpu_sc as plsc

BATCH = 64
N = 8192
K = 8
L = 16
NC = 2
NS = 16
NW = NC * NS
ROWS_PER_W = BATCH // NW
NQ = 4
QELEMS = N // NQ
QCHUNKS = QELEMS // L
QCAP = QELEMS + L
NEG = float("-inf")


def _topk_body(x_hbm, vals_hbm, idx_hbm, xbuf, cand, vbuf, ibuf, *sems):
    wid = lax.axis_index("s") * NC + lax.axis_index("c")
    r0 = wid * ROWS_PER_W
    H = N // 2
    copies = [
        pltpu.async_copy(
            x_hbm.at[r0, pl.ds(0, H)], xbuf.at[pl.ds(0, H)], sems[0]
        ),
        pltpu.async_copy(
            x_hbm.at[r0, pl.ds(H, H)], xbuf.at[pl.ds(H, H)], sems[1]
        ),
        pltpu.async_copy(
            x_hbm.at[r0 + 1], xbuf.at[pl.ds(N, N)], sems[2]
        ),
    ]

    lane = lax.iota(jnp.int32, L)
    top8_mask = lane < K
    pinf = jnp.full((L,), jnp.inf, jnp.float32)
    neg = jnp.full((L,), NEG, jnp.float32)
    guard_abs = jnp.full((L,), ROWS_PER_W * N, jnp.int32)
    sixteen = jnp.full((L,), L, jnp.int32)
    qbase = [jnp.full((L,), q * QCAP, jnp.int32) for q in range(NQ)]

    for cp in copies:
        cp.wait()
    xbuf[pl.ds(ROWS_PER_W * N, L)] = neg

    def row_body(r, carry):
        base = r * N

        def amax_step(g, Ms):
            gb = base + g * (16 * L)
            return tuple(
                jnp.maximum(Ms[u], xbuf[pl.ds(gb + 2 * u * L, L)])
                for u in range(8)
            )

        Ms = lax.fori_loop(0, N // (16 * L), amax_step, (neg,) * 8)
        ma = jnp.maximum(jnp.maximum(Ms[0], Ms[1]), jnp.maximum(Ms[2], Ms[3]))
        mb = jnp.maximum(jnp.maximum(Ms[4], Ms[5]), jnp.maximum(Ms[6], Ms[7]))
        sa, _ = plsc.sort_key_val(ma, lane, descending=True)
        sb, _ = plsc.sort_key_val(mb, lane, descending=False)
        top16 = jnp.maximum(sa, sb)
        s16, _ = plsc.sort_key_val(top16, lane, descending=True)
        t0 = jnp.min(jnp.where(top8_mask, s16, pinf))
        t0v = jnp.full((L,), t0)

        def bscan_step(c, carry):
            poss, ixs = carry
            new_pos = []
            new_ix = []
            for q in range(NQ):
                x = xbuf[pl.ds(base + q * QELEMS + c * L, L)]
                m = x >= t0v
                plsc.store_scatter(cand, [poss[q]], ixs[q], mask=m)
                new_pos.append(jnp.where(m, poss[q] + sixteen, poss[q]))
                new_ix.append(ixs[q] + sixteen)
            return tuple(new_pos), tuple(new_ix)

        pos0 = tuple(qbase[q] + lane for q in range(NQ))
        ix0 = tuple(jnp.full((L,), q * QELEMS, jnp.int32) + lane for q in range(NQ))
        poss, _ = plsc.parallel_loop(
            0, QCHUNKS, 1, unroll=2, carry=(pos0, ix0)
        )(bscan_step)

        rel = [poss[q] - qbase[q] for q in range(NQ)]
        mall = jnp.maximum(jnp.maximum(rel[0], rel[1]), jnp.maximum(rel[2], rel[3]))
        ntrips = jnp.max(mall) // L
        base_vec = jnp.full((L,), base, jnp.int32)

        def merge_step(j, carry):
            V, IV = carry
            slot_rel = j * L + lane
            for q in range(NQ):
                valid = slot_rel < rel[q]
                idxv = cand[pl.ds(q * QCAP + j * L, L)]
                gidx = jnp.where(valid, idxv + base_vec, guard_abs)
                vals = plsc.load_gather(xbuf, [gidx])
                idxv = jnp.where(valid, idxv, guard_abs)
                vs, ivs = plsc.sort_key_val(vals, idxv, descending=False)
                keep = V >= vs
                mv = jnp.where(keep, V, vs)
                mi = jnp.where(keep, IV, ivs)
                V, IV = plsc.sort_key_val(mv, mi, descending=True)
            return V, IV

        V, IV = lax.fori_loop(0, ntrips, merge_step, (neg, lane))

        vbuf[pl.ds(r * L, L)] = V
        ibuf[pl.ds(r * L, L)] = IV
        return carry

    lax.fori_loop(0, ROWS_PER_W, row_body, 0)

    out_copies = []
    for r in range(ROWS_PER_W):
        out_copies.append(
            pltpu.async_copy(
                vbuf.at[pl.ds(r * L, K)],
                vals_hbm.at[pl.ds((r0 + r) * K, K)],
                sems[3 + 2 * r],
            )
        )
        out_copies.append(
            pltpu.async_copy(
                ibuf.at[pl.ds(r * L, K)],
                idx_hbm.at[pl.ds((r0 + r) * K, K)],
                sems[3 + 2 * r + 1],
            )
        )
    for cp in out_copies:
        cp.wait()


def _compiler_params():
    cp = pltpu.CompilerParams()
    if "needs_layout_passes" in pltpu.CompilerParams.__dataclass_fields__:
        cp = dataclasses.replace(cp, needs_layout_passes=False)
    return cp


@jax.jit
def kernel(x):
    mesh = plsc.VectorSubcoreMesh(
        core_axis_name="c", subcore_axis_name="s", num_cores=NC, num_subcores=NS
    )
    vals, idx = pl.kernel(
        _topk_body,
        out_type=(
            jax.ShapeDtypeStruct((BATCH * K,), jnp.float32),
            jax.ShapeDtypeStruct((BATCH * K,), jnp.int32),
        ),
        mesh=mesh,
        scratch_types=[
            pltpu.VMEM((ROWS_PER_W * N + L,), jnp.float32),
            pltpu.VMEM((NQ * QCAP,), jnp.int32),
            pltpu.VMEM((ROWS_PER_W * L,), jnp.float32),
            pltpu.VMEM((ROWS_PER_W * L,), jnp.int32),
        ]
        + [pltpu.SemaphoreType.DMA] * (3 + 2 * ROWS_PER_W),
        compiler_params=_compiler_params(),
    )(x)
    return vals.reshape(BATCH, K), idx.reshape(BATCH, K).astype(jnp.int64)

# --- scband reference (transcript-rebuilt; emitter-appended) ---
"""Pipeline reference for scband-model-81209241633220 (READ-ONLY COPY).

The authoritative reference and input builder live on the scoring server;
editing this copy changes nothing except your own understanding.
"""

import jax, jax.numpy as jnp
import numpy as np

BATCH = 64
N = 8192
K = 8

def setup_inputs(seed: int = 0) -> dict:
    key = jax.random.key(seed)
    x = jax.random.normal(key, (BATCH, N), dtype=jnp.float32)
    return {"x": x}

def reference(x):
    # torch.topk(x, k=K, dim=-1, largest=True, sorted=True)
    values, indices = jax.lax.top_k(x, K)
    return (values, indices.astype(jnp.int64))

if __name__ == "__main__":
    import jax
    _d = setup_inputs()
    print(jax.jit(kernel)(*tuple(_d.values())))

</pallas_src>

<mosaic_0001>
#map = affine_map<(d0, d1) -> (0, 0)>
#map1 = affine_map<(d0, d1) -> (0)>
module attributes {stable_mosaic.version = 14 : i64} {
  func.func @_topk_body(%arg0: i32, %arg1: i32, %arg2: memref<64x8192xf32, #tpu.memory_space<hbm>>, %arg3: memref<512xf32, #tpu.memory_space<hbm>>, %arg4: memref<512xi32, #tpu.memory_space<hbm>>, %arg5: memref<16400xf32, #tpu.memory_space<vmem>>, %arg6: memref<8256xi32, #tpu.memory_space<vmem>>, %arg7: memref<32xf32, #tpu.memory_space<vmem>>, %arg8: memref<32xi32, #tpu.memory_space<vmem>>, %arg9: memref<!tpu.dma_semaphore, #tpu.memory_space<semaphore_mem>>, %arg10: memref<!tpu.dma_semaphore, #tpu.memory_space<semaphore_mem>>, %arg11: memref<!tpu.dma_semaphore, #tpu.memory_space<semaphore_mem>>, %arg12: memref<!tpu.dma_semaphore, #tpu.memory_space<semaphore_mem>>, %arg13: memref<!tpu.dma_semaphore, #tpu.memory_space<semaphore_mem>>, %arg14: memref<!tpu.dma_semaphore, #tpu.memory_space<semaphore_mem>>, %arg15: memref<!tpu.dma_semaphore, #tpu.memory_space<semaphore_mem>>) attributes {dimension_semantics = [#tpu.dimension_semantics<core_parallel>, #tpu.dimension_semantics<subcore_parallel>], iteration_bounds = array<i64: 2, 16>, scalar_prefetch = 0 : i64, scratch_operands = 11 : i64, tpu.core_type = #tpu.core_type<sc_vector_subcore>, window_params = [{transform_indices = #map}, {transform_indices = #map1}, {transform_indices = #map1}]} {
    %mul3A = arith.constant 2 : i32
    %mul3A_0 = arith.muli %arg1, %mul3A : i32
    %add3A = arith.addi %mul3A_0, %arg0 : i32
    %mul3A_1 = arith.constant 2 : i32
    %mul3A_2 = arith.muli %add3A, %mul3A_1 : i32
    %dma_start3A = arith.constant 0 : i32
    %dma_start3A_3 = tpu.memref_slice %arg5[%dma_start3A] : memref<16400xf32, #tpu.memory_space<vmem>> -> memref<4096xf32, #tpu.memory_space<vmem>>
    %dma_start3A_4 = arith.constant 0 : i32
    %dma_start3A_5 = tpu.memref_slice %arg2[%mul3A_2, %dma_start3A_4] : memref<64x8192xf32, #tpu.memory_space<hbm>> -> memref<1x4096xf32, #tpu.memory_space<hbm>>
    %dma_start3A_6 = tpu.memref_squeeze %dma_start3A_5 : memref<1x4096xf32, #tpu.memory_space<hbm>> -> memref<4096xf32, #tpu.memory_space<hbm>>
    %dma_start3A_7 = arith.constant 0 : i32
    %dma_start3A_8 = tpu.memref_slice %arg5[%dma_start3A_7] : memref<16400xf32, #tpu.memory_space<vmem>> -> memref<4096xf32, #tpu.memory_space<vmem>>
    %dma_start3A_9 = arith.constant 0 : i32
    %dma_start3A_10 = tpu.memref_slice %arg2[%mul3A_2, %dma_start3A_9] : memref<64x8192xf32, #tpu.memory_space<hbm>> -> memref<1x4096xf32, #tpu.memory_space<hbm>>
    %dma_start3A_11 = tpu.memref_squeeze %dma_start3A_10 : memref<1x4096xf32, #tpu.memory_space<hbm>> -> memref<4096xf32, #tpu.memory_space<hbm>>
    tpu.enqueue_dma source(%dma_start3A_11 : memref<4096xf32, #tpu.memory_space<hbm>>) target(%dma_start3A_8 : memref<4096xf32, #tpu.memory_space<vmem>>) target_semaphore(%arg9 : memref<!tpu.dma_semaphore, #tpu.memory_space<semaphore_mem>>)
    %dma_start3A_12 = arith.constant 4096 : i32
    %dma_start3A_13 = tpu.memref_slice %arg5[%dma_start3A_12] : memref<16400xf32, #tpu.memory_space<vmem>> -> memref<4096xf32, #tpu.memory_space<vmem>>
    %dma_start3A_14 = arith.constant 4096 : i32
    %dma_start3A_15 = tpu.memref_slice %arg2[%mul3A_2, %dma_start3A_14] : memref<64x8192xf32, #tpu.memory_space<hbm>> -> memref<1x4096xf32, #tpu.memory_space<hbm>>
    %dma_start3A_16 = tpu.memref_squeeze %dma_start3A_15 : memref<1x4096xf32, #tpu.memory_space<hbm>> -> memref<4096xf32, #tpu.memory_space<hbm>>
    %dma_start3A_17 = arith.constant 4096 : i32
    %dma_start3A_18 = tpu.memref_slice %arg5[%dma_start3A_17] : memref<16400xf32, #tpu.memory_space<vmem>> -> memref<4096xf32, #tpu.memory_space<vmem>>
    %dma_start3A_19 = arith.constant 4096 : i32
    %dma_start3A_20 = tpu.memref_slice %arg2[%mul3A_2, %dma_start3A_19] : memref<64x8192xf32, #tpu.memory_space<hbm>> -> memref<1x4096xf32, #tpu.memory_space<hbm>>
    %dma_start3A_21 = tpu.memref_squeeze %dma_start3A_20 : memref<1x4096xf32, #tpu.memory_space<hbm>> -> memref<4096xf32, #tpu.memory_space<hbm>>
    tpu.enqueue_dma source(%dma_start3A_21 : memref<4096xf32, #tpu.memory_space<hbm>>) target(%dma_start3A_18 : memref<4096xf32, #tpu.memory_space<vmem>>) target_semaphore(%arg10 : memref<!tpu.dma_semaphore, #tpu.memory_space<semaphore_mem>>)
    %add3A_22 = arith.constant 1 : i32
    %add3A_23 = arith.addi %mul3A_2, %add3A_22 : i32
    %dma_start3A_24 = arith.constant 8192 : i32
    %dma_start3A_25 = tpu.memref_slice %arg5[%dma_start3A_24] : memref<16400xf32, #tpu.memory_space<vmem>> -> memref<8192xf32, #tpu.memory_space<vmem>>
    %dma_start3A_26 = arith.constant 0 : i32
    %dma_start3A_27 = tpu.memref_slice %arg2[%add3A_23, %dma_start3A_26] : memref<64x8192xf32, #tpu.memory_space<hbm>> -> memref<1x8192xf32, #tpu.memory_space<hbm>>
    %dma_start3A_28 = tpu.memref_squeeze %dma_start3A_27 : memref<1x8192xf32, #tpu.memory_space<hbm>> -> memref<8192xf32, #tpu.memory_space<hbm>>
    %dma_start3A_29 = arith.constant 8192 : i32
    %dma_start3A_30 = tpu.memref_slice %arg5[%dma_start3A_29] : memref<16400xf32, #tpu.memory_space<vmem>> -> memref<8192xf32, #tpu.memory_space<vmem>>
    %dma_start3A_31 = arith.constant 0 : i32
    %dma_start3A_32 = tpu.memref_slice %arg2[%add3A_23, %dma_start3A_31] : memref<64x8192xf32, #tpu.memory_space<hbm>> -> memref<1x8192xf32, #tpu.memory_space<hbm>>
    %dma_start3A_33 = tpu.memref_squeeze %dma_start3A_32 : memref<1x8192xf32, #tpu.memory_space<hbm>> -> memref<8192xf32, #tpu.memory_space<hbm>>
    tpu.enqueue_dma source(%dma_start3A_33 : memref<8192xf32, #tpu.memory_space<hbm>>) target(%dma_start3A_30 : memref<8192xf32, #tpu.memory_space<vmem>>) target_semaphore(%arg11 : memref<!tpu.dma_semaphore, #tpu.memory_space<semaphore_mem>>)
    %iota3A = tpu.iota {dimensions = array<i32: 0>} : vector<16xi32>
    %lt3A = arith.constant 8 : i32
    %lt3A_34 = vector.broadcast %lt3A : i32 to vector<16xi32>
    %lt3A_35 = arith.cmpi slt, %iota3A, %lt3A_34 : vector<16xi32>
    %broadcast_in_dim3A = arith.constant 0x7F800000 : f32
    %broadcast_in_dim3A_36 = vector.broadcast %broadcast_in_dim3A : f32 to vector<16xf32>
    %broadcast_in_dim3A_37 = arith.constant 0xFF800000 : f32
    %broadcast_in_dim3A_38 = vector.broadcast %broadcast_in_dim3A_37 : f32 to vector<16xf32>
    %broadcast_in_dim3A_39 = arith.constant 16384 : i32
    %broadcast_in_dim3A_40 = vector.broadcast %broadcast_in_dim3A_39 : i32 to vector<16xi32>
    %broadcast_in_dim3A_41 = arith.constant 16 : i32
    %broadcast_in_dim3A_42 = vector.broadcast %broadcast_in_dim3A_41 : i32 to vector<16xi32>
    %broadcast_in_dim3A_43 = arith.constant 0 : i32
    %broadcast_in_dim3A_44 = vector.broadcast %broadcast_in_dim3A_43 : i32 to vector<16xi32>
    %broadcast_in_dim3A_45 = arith.constant 2064 : i32
    %broadcast_in_dim3A_46 = vector.broadcast %broadcast_in_dim3A_45 : i32 to vector<16xi32>
    %broadcast_in_dim3A_47 = arith.constant 4128 : i32
    %broadcast_in_dim3A_48 = vector.broadcast %broadcast_in_dim3A_47 : i32 to vector<16xi32>
    %broadcast_in_dim3A_49 = arith.constant 6192 : i32
    %broadcast_in_dim3A_50 = vector.broadcast %broadcast_in_dim3A_49 : i32 to vector<16xi32>
    %dma_wait3A = arith.constant 0 : i32
    %dma_wait3A_51 = tpu.memref_slice %arg5[%dma_wait3A] : memref<16400xf32, #tpu.memory_space<vmem>> -> memref<4096xf32, #tpu.memory_space<vmem>>
    %dma_wait3A_52 = arith.constant 0 : i32
    %dma_wait3A_53 = tpu.memref_slice %arg2[%mul3A_2, %dma_wait3A_52] : memref<64x8192xf32, #tpu.memory_space<hbm>> -> memref<1x4096xf32, #tpu.memory_space<hbm>>
    %dma_wait3A_54 = tpu.memref_squeeze %dma_wait3A_53 : memref<1x4096xf32, #tpu.memory_space<hbm>> -> memref<4096xf32, #tpu.memory_space<hbm>>
    %dma_wait3A_55 = arith.constant 0 : i32
    %dma_wait3A_56 = tpu.memref_slice %arg5[%dma_wait3A_55] : memref<16400xf32, #tpu.memory_space<vmem>> -> memref<4096xf32, #tpu.memory_space<vmem>>
    %dma_wait3A_57 = arith.constant 0 : i32
    %dma_wait3A_58 = tpu.memref_slice %arg2[%mul3A_2, %dma_wait3A_57] : memref<64x8192xf32, #tpu.memory_space<hbm>> -> memref<1x4096xf32, #tpu.memory_space<hbm>>
    %dma_wait3A_59 = tpu.memref_squeeze %dma_wait3A_58 : memref<1x4096xf32, #tpu.memory_space<hbm>> -> memref<4096xf32, #tpu.memory_space<hbm>>
    tpu.wait_dma2 semaphore(%arg9 : memref<!tpu.dma_semaphore, #tpu.memory_space<semaphore_mem>>) src(%dma_wait3A_59 : memref<4096xf32, #tpu.memory_space<hbm>>) dst(%dma_wait3A_56 : memref<4096xf32, #tpu.memory_space<vmem>>)
    %dma_wait3A_60 = arith.constant 4096 : i32
    %dma_wait3A_61 = tpu.memref_slice %arg5[%dma_wait3A_60] : memref<16400xf32, #tpu.memory_space<vmem>> -> memref<4096xf32, #tpu.memory_space<vmem>>
    %dma_wait3A_62 = arith.constant 4096 : i32
    %dma_wait3A_63 = tpu.memref_slice %arg2[%mul3A_2, %dma_wait3A_62] : memref<64x8192xf32, #tpu.memory_space<hbm>> -> memref<1x4096xf32, #tpu.memory_space<hbm>>
    %dma_wait3A_64 = tpu.memref_squeeze %dma_wait3A_63 : memref<1x4096xf32, #tpu.memory_space<hbm>> -> memref<4096xf32, #tpu.memory_space<hbm>>
    %dma_wait3A_65 = arith.constant 4096 : i32
    %dma_wait3A_66 = tpu.memref_slice %arg5[%dma_wait3A_65] : memref<16400xf32, #tpu.memory_space<vmem>> -> memref<4096xf32, #tpu.memory_space<vmem>>
    %dma_wait3A_67 = arith.constant 4096 : i32
    %dma_wait3A_68 = tpu.memref_slice %arg2[%mul3A_2, %dma_wait3A_67] : memref<64x8192xf32, #tpu.memory_space<hbm>> -> memref<1x4096xf32, #tpu.memory_space<hbm>>
    %dma_wait3A_69 = tpu.memref_squeeze %dma_wait3A_68 : memref<1x4096xf32, #tpu.memory_space<hbm>> -> memref<4096xf32, #tpu.memory_space<hbm>>
    tpu.wait_dma2 semaphore(%arg10 : memref<!tpu.dma_semaphore, #tpu.memory_space<semaphore_mem>>) src(%dma_wait3A_69 : memref<4096xf32, #tpu.memory_space<hbm>>) dst(%dma_wait3A_66 : memref<4096xf32, #tpu.memory_space<vmem>>)
    %dma_wait3A_70 = arith.constant 8192 : i32
    %dma_wait3A_71 = tpu.memref_slice %arg5[%dma_wait3A_70] : memref<16400xf32, #tpu.memory_space<vmem>> -> memref<8192xf32, #tpu.memory_space<vmem>>
    %dma_wait3A_72 = arith.constant 0 : i32
    %dma_wait3A_73 = tpu.memref_slice %arg2[%add3A_23, %dma_wait3A_72] : memref<64x8192xf32, #tpu.memory_space<hbm>> -> memref<1x8192xf32, #tpu.memory_space<hbm>>
    %dma_wait3A_74 = tpu.memref_squeeze %dma_wait3A_73 : memref<1x8192xf32, #tpu.memory_space<hbm>> -> memref<8192xf32, #tpu.memory_space<hbm>>
    %dma_wait3A_75 = arith.constant 8192 : i32
    %dma_wait3A_76 = tpu.memref_slice %arg5[%dma_wait3A_75] : memref<16400xf32, #tpu.memory_space<vmem>> -> memref<8192xf32, #tpu.memory_space<vmem>>
    %dma_wait3A_77 = arith.constant 0 : i32
    %dma_wait3A_78 = tpu.memref_slice %arg2[%add3A_23, %dma_wait3A_77] : memref<64x8192xf32, #tpu.memory_space<hbm>> -> memref<1x8192xf32, #tpu.memory_space<hbm>>
    %dma_wait3A_79 = tpu.memref_squeeze %dma_wait3A_78 : memref<1x8192xf32, #tpu.memory_space<hbm>> -> memref<8192xf32, #tpu.memory_space<hbm>>
    tpu.wait_dma2 semaphore(%arg11 : memref<!tpu.dma_semaphore, #tpu.memory_space<semaphore_mem>>) src(%dma_wait3A_79 : memref<8192xf32, #tpu.memory_space<hbm>>) dst(%dma_wait3A_76 : memref<8192xf32, #tpu.memory_space<vmem>>)
    %swap3A = arith.constant 16384 : index
    %swap3A_80 = tpu.vector_load %arg5[%swap3A] {strides = array<i32>} : memref<16400xf32, #tpu.memory_space<vmem>>, vector<16xf32>,
    tpu.vector_store %arg5[%swap3A], %broadcast_in_dim3A_38 {strides = array<i32>} : memref<16400xf32, #tpu.memory_space<vmem>>, vector<16xf32>,
    %scan3A = arith.constant 0 : i32
    %scan3A_81 = arith.constant 0 : i32
    %scan3A_82 = arith.constant 2 : i32
    %scan3A_83 = arith.addi %scan3A_81, %scan3A_82 : i32
    %scan3A_84 = arith.constant 1 : i32
    scf.for %scan3A_150 = %scan3A_81 to %scan3A_83 step %scan3A_84  : i32 {
      %mul3A_151 = arith.constant 8192 : i32
      %mul3A_152 = arith.muli %scan3A_150, %mul3A_151 : i32
      %scan3A_153 = arith.constant 0 : i32
      %scan3A_154 = arith.constant 32 : i32
      %scan3A_155 = arith.addi %scan3A_153, %scan3A_154 : i32
      %scan3A_156 = arith.constant 1 : i32
      %scan3A_157:8 = scf.for %scan3A_249 = %scan3A_153 to %scan3A_155 step %scan3A_156 iter_args(%scan3A_250 = %broadcast_in_dim3A_38, %scan3A_251 = %broadcast_in_dim3A_38, %scan3A_252 = %broadcast_in_dim3A_38, %scan3A_253 = %broadcast_in_dim3A_38, %scan3A_254 = %broadcast_in_dim3A_38, %scan3A_255 = %broadcast_in_dim3A_38, %scan3A_256 = %broadcast_in_dim3A_38, %scan3A_257 = %broadcast_in_dim3A_38) -> (vector<16xf32>, vector<16xf32>, vector<16xf32>, vector<16xf32>, vector<16xf32>, vector<16xf32>, vector<16xf32>, vector<16xf32>)  : i32 {
        %mul3A_258 = arith.constant 256 : i32
        %mul3A_259 = arith.muli %scan3A_249, %mul3A_258 : i32
        %add3A_260 = arith.addi %mul3A_152, %mul3A_259 : i32
        %add3A_261 = arith.constant 0 : i32
        %add3A_262 = arith.addi %add3A_260, %add3A_261 : i32
        %get3A = arith.index_cast %add3A_262 : i32 to index
        %get3A_263 = tpu.vector_load %arg5[%get3A] {strides = array<i32>} : memref<16400xf32, #tpu.memory_space<vmem>>, vector<16xf32>,
        %max3A_264 = arith.maximumf %scan3A_250, %get3A_263 : vector<16xf32>
        %add3A_265 = arith.constant 32 : i32
        %add3A_266 = arith.addi %add3A_260, %add3A_265 : i32
        %get3A_267 = arith.index_cast %add3A_266 : i32 to index
        %get3A_268 = tpu.vector_load %arg5[%get3A_267] {strides = array<i32>} : memref<16400xf32, #tpu.memory_space<vmem>>, vector<16xf32>,
        %max3A_269 = arith.maximumf %scan3A_251, %get3A_268 : vector<16xf32>
        %add3A_270 = arith.constant 64 : i32
        %add3A_271 = arith.addi %add3A_260, %add3A_270 : i32
        %get3A_272 = arith.index_cast %add3A_271 : i32 to index
        %get3A_273 = tpu.vector_load %arg5[%get3A_272] {strides = array<i32>} : memref<16400xf32, #tpu.memory_space<vmem>>, vector<16xf32>,
        %max3A_274 = arith.maximumf %scan3A_252, %get3A_273 : vector<16xf32>
        %add3A_275 = arith.constant 96 : i32
        %add3A_276 = arith.addi %add3A_260, %add3A_275 : i32
        %get3A_277 = arith.index_cast %add3A_276 : i32 to index
        %get3A_278 = tpu.vector_load %arg5[%get3A_277] {strides = array<i32>} : memref<16400xf32, #tpu.memory_space<vmem>>, vector<16xf32>,
        %max3A_279 = arith.maximumf %scan3A_253, %get3A_278 : vector<16xf32>
        %add3A_280 = arith.constant 128 : i32
        %add3A_281 = arith.addi %add3A_260, %add3A_280 : i32
        %get3A_282 = arith.index_cast %add3A_281 : i32 to index
        %get3A_283 = tpu.vector_load %arg5[%get3A_282] {strides = array<i32>} : memref<16400xf32, #tpu.memory_space<vmem>>, vector<16xf32>,
        %max3A_284 = arith.maximumf %scan3A_254, %get3A_283 : vector<16xf32>
        %add3A_285 = arith.constant 160 : i32
        %add3A_286 = arith.addi %add3A_260, %add3A_285 : i32
        %get3A_287 = arith.index_cast %add3A_286 : i32 to index
        %get3A_288 = tpu.vector_load %arg5[%get3A_287] {strides = array<i32>} : memref<16400xf32, #tpu.memory_space<vmem>>, vector<16xf32>,
        %max3A_289 = arith.maximumf %scan3A_255, %get3A_288 : vector<16xf32>
        %add3A_290 = arith.constant 192 : i32
        %add3A_291 = arith.addi %add3A_260, %add3A_290 : i32
        %get3A_292 = arith.index_cast %add3A_291 : i32 to index
        %get3A_293 = tpu.vector_load %arg5[%get3A_292] {strides = array<i32>} : memref<16400xf32, #tpu.memory_space<vmem>>, vector<16xf32>,
        %max3A_294 = arith.maximumf %scan3A_256, %get3A_293 : vector<16xf32>
        %add3A_295 = arith.constant 224 : i32
        %add3A_296 = arith.addi %add3A_260, %add3A_295 : i32
        %get3A_297 = arith.index_cast %add3A_296 : i32 to index
        %get3A_298 = tpu.vector_load %arg5[%get3A_297] {strides = array<i32>} : memref<16400xf32, #tpu.memory_space<vmem>>, vector<16xf32>,
        %max3A_299 = arith.maximumf %scan3A_257, %get3A_298 : vector<16xf32>
        scf.yield %max3A_264, %max3A_269, %max3A_274, %max3A_279, %max3A_284, %max3A_289, %max3A_294, %max3A_299 : vector<16xf32>, vector<16xf32>, vector<16xf32>, vector<16xf32>, vector<16xf32>, vector<16xf32>, vector<16xf32>, vector<16xf32>
      }
      %scan3A_158 = arith.constant 32 : i32
      %max3A = arith.maximumf %scan3A_157#0, %scan3A_157#1 : vector<16xf32>
      %max3A_159 = arith.maximumf %scan3A_157#2, %scan3A_157#3 : vector<16xf32>
      %max3A_160 = arith.maximumf %max3A, %max3A_159 : vector<16xf32>
      %max3A_161 = arith.maximumf %scan3A_157#4, %scan3A_157#5 : vector<16xf32>
      %max3A_162 = arith.maximumf %scan3A_157#6, %scan3A_157#7 : vector<16xf32>
      %max3A_163 = arith.maximumf %max3A_161, %max3A_162 : vector<16xf32>
      %masked_sort3A = arith.constant dense<true> : vector<16xi1>
      %masked_sort3A_164, %masked_sort3A_165, %masked_sort3A_166 = tpu.sort %max3A_160, %iota3A masked %masked_sort3A {descending = true} : (vector<16xf32>, vector<16xi32>, vector<16xi1>) -> (vector<16xi1>, vector<16xf32>, vector<16xi32>)
      %masked_sort3A_167 = arith.constant dense<true> : vector<16xi1>
      %masked_sort3A_168, %masked_sort3A_169, %masked_sort3A_170 = tpu.sort %max3A_163, %iota3A masked %masked_sort3A_167 : (vector<16xf32>, vector<16xi32>, vector<16xi1>) -> (vector<16xi1>, vector<16xf32>, vector<16xi32>)
      %max3A_171 = arith.maximumf %masked_sort3A_165, %masked_sort3A_169 : vector<16xf32>
      %masked_sort3A_172 = arith.constant dense<true> : vector<16xi1>
      %masked_sort3A_173, %masked_sort3A_174, %masked_sort3A_175 = tpu.sort %max3A_171, %iota3A masked %masked_sort3A_172 {descending = true} : (vector<16xf32>, vector<16xi32>, vector<16xi1>) -> (vector<16xi1>, vector<16xf32>, vector<16xi32>)
      %select_n3A = arith.select %lt3A_35, %masked_sort3A_174, %broadcast_in_dim3A_36 : vector<16xi1>, vector<16xf32>
      %reduce_min3A = arith.constant true
      %reduce_min3A_176 = vector.broadcast %reduce_min3A : i1 to vector<16xi1>
      %reduce_min3A_177 = tpu.scan <min>, %select_n3A masked %reduce_min3A_176 : vector<16xf32>, vector<16xi1> -> vector<16xf32>
      %reduce_min3A_178 = vector.extract %reduce_min3A_177[15] : f32 from vector<16xf32>
      %broadcast_in_dim3A_179 = vector.broadcast %reduce_min3A_178 : f32 to vector<16xf32>
      %add3A_180 = arith.addi %broadcast_in_dim3A_44, %iota3A : vector<16xi32>
      %add3A_181 = arith.addi %broadcast_in_dim3A_46, %iota3A : vector<16xi32>
      %add3A_182 = arith.addi %broadcast_in_dim3A_48, %iota3A : vector<16xi32>
      %add3A_183 = arith.addi %broadcast_in_dim3A_50, %iota3A : vector<16xi32>
      %broadcast_in_dim3A_184 = arith.constant 0 : i32
      %broadcast_in_dim3A_185 = vector.broadcast %broadcast_in_dim3A_184 : i32 to vector<16xi32>
      %add3A_186 = arith.addi %broadcast_in_dim3A_185, %iota3A : vector<16xi32>
      %broadcast_in_dim3A_187 = arith.constant 2048 : i32
      %broadcast_in_dim3A_188 = vector.broadcast %broadcast_in_dim3A_187 : i32 to vector<16xi32>
      %add3A_189 = arith.addi %broadcast_in_dim3A_188, %iota3A : vector<16xi32>
      %broadcast_in_dim3A_190 = arith.constant 4096 : i32
      %broadcast_in_dim3A_191 = vector.broadcast %broadcast_in_dim3A_190 : i32 to vector<16xi32>
      %add3A_192 = arith.addi %broadcast_in_dim3A_191, %iota3A : vector<16xi32>
      %broadcast_in_dim3A_193 = arith.constant 6144 : i32
      %broadcast_in_dim3A_194 = vector.broadcast %broadcast_in_dim3A_193 : i32 to vector<16xi32>
      %add3A_195 = arith.addi %broadcast_in_dim3A_194, %iota3A : vector<16xi32>
      %parallel_loop3A = arith.constant 0 : i32
      %parallel_loop3A_196 = arith.constant 128 : i32
      %parallel_loop3A_197 = arith.constant 1 : i32
      %parallel_loop3A_198:8 = scf.for %parallel_loop3A_249 = %parallel_loop3A to %parallel_loop3A_196 step %parallel_loop3A_197 iter_args(%parallel_loop3A_250 = %add3A_180, %parallel_loop3A_251 = %add3A_181, %parallel_loop3A_252 = %add3A_182, %parallel_loop3A_253 = %add3A_183, %parallel_loop3A_254 = %add3A_186, %parallel_loop3A_255 = %add3A_189, %parallel_loop3A_256 = %add3A_192, %parallel_loop3A_257 = %add3A_195) -> (vector<16xi32>, vector<16xi32>, vector<16xi32>, vector<16xi32>, vector<16xi32>, vector<16xi32>, vector<16xi32>, vector<16xi32>)  : i32 {
        %parallel_loop3A_258 = arith.constant 0 : i32
        %parallel_loop3A_259 = arith.addi %mul3A_152, %parallel_loop3A_258 : i32
        %parallel_loop3A_260 = arith.constant 16 : i32
        %parallel_loop3A_261 = arith.muli %parallel_loop3A_249, %parallel_loop3A_260 : i32
        %parallel_loop3A_262 = arith.addi %parallel_loop3A_259, %parallel_loop3A_261 : i32
        %parallel_loop3A_263 = arith.index_cast %parallel_loop3A_262 : i32 to index
        %parallel_loop3A_264 = tpu.vector_load %arg5[%parallel_loop3A_263] {strides = array<i32>} : memref<16400xf32, #tpu.memory_space<vmem>>, vector<16xf32>,
        %parallel_loop3A_265 = arith.cmpf oge, %parallel_loop3A_264, %broadcast_in_dim3A_179 : vector<16xf32>
        tpu.vector_store_idx %arg6[%parallel_loop3A_250], %parallel_loop3A_254 masked %parallel_loop3A_265 : memref<8256xi32, #tpu.memory_space<vmem>>[vector<16xi32>], vector<16xi32>, vector<16xi1>
        %parallel_loop3A_266 = arith.addi %parallel_loop3A_250, %broadcast_in_dim3A_42 : vector<16xi32>
        %parallel_loop3A_267 = arith.select %parallel_loop3A_265, %parallel_loop3A_266, %parallel_loop3A_250 : vector<16xi1>, vector<16xi32>
        %parallel_loop3A_268 = arith.addi %parallel_loop3A_254, %broadcast_in_dim3A_42 : vector<16xi32>
        %parallel_loop3A_269 = arith.constant 2048 : i32
        %parallel_loop3A_270 = arith.addi %mul3A_152, %parallel_loop3A_269 : i32
        %parallel_loop3A_271 = arith.constant 16 : i32
        %parallel_loop3A_272 = arith.muli %parallel_loop3A_249, %parallel_loop3A_271 : i32
        %parallel_loop3A_273 = arith.addi %parallel_loop3A_270, %parallel_loop3A_272 : i32
        %parallel_loop3A_274 = arith.index_cast %parallel_loop3A_273 : i32 to index
        %parallel_loop3A_275 = tpu.vector_load %arg5[%parallel_loop3A_274] {strides = array<i32>} : memref<16400xf32, #tpu.memory_space<vmem>>, vector<16xf32>,
        %parallel_loop3A_276 = arith.cmpf oge, %parallel_loop3A_275, %broadcast_in_dim3A_179 : vector<16xf32>
        tpu.vector_store_idx %arg6[%parallel_loop3A_251], %parallel_loop3A_255 masked %parallel_loop3A_276 : memref<8256xi32, #tpu.memory_space<vmem>>[vector<16xi32>], vector<16xi32>, vector<16xi1>
        %parallel_loop3A_277 = arith.addi %parallel_loop3A_251, %broadcast_in_dim3A_42 : vector<16xi32>
        %parallel_loop3A_278 = arith.select %parallel_loop3A_276, %parallel_loop3A_277, %parallel_loop3A_251 : vector<16xi1>, vector<16xi32>
        %parallel_loop3A_279 = arith.addi %parallel_loop3A_255, %broadcast_in_dim3A_42 : vector<16xi32>
        %parallel_loop3A_280 = arith.constant 4096 : i32
        %parallel_loop3A_281 = arith.addi %mul3A_152, %parallel_loop3A_280 : i32
        %parallel_loop3A_282 = arith.constant 16 : i32
        %parallel_loop3A_283 = arith.muli %parallel_loop3A_249, %parallel_loop3A_282 : i32
        %parallel_loop3A_284 = arith.addi %parallel_loop3A_281, %parallel_loop3A_283 : i32
        %parallel_loop3A_285 = arith.index_cast %parallel_loop3A_284 : i32 to index
        %parallel_loop3A_286 = tpu.vector_load %arg5[%parallel_loop3A_285] {strides = array<i32>} : memref<16400xf32, #tpu.memory_space<vmem>>, vector<16xf32>,
        %parallel_loop3A_287 = arith.cmpf oge, %parallel_loop3A_286, %broadcast_in_dim3A_179 : vector<16xf32>
        tpu.vector_store_idx %arg6[%parallel_loop3A_252], %parallel_loop3A_256 masked %parallel_loop3A_287 : memref<8256xi32, #tpu.memory_space<vmem>>[vector<16xi32>], vector<16xi32>, vector<16xi1>
        %parallel_loop3A_288 = arith.addi %parallel_loop3A_252, %broadcast_in_dim3A_42 : vector<16xi32>
        %parallel_loop3A_289 = arith.select %parallel_loop3A_287, %parallel_loop3A_288, %parallel_loop3A_252 : vector<16xi1>, vector<16xi32>
        %parallel_loop3A_290 = arith.addi %parallel_loop3A_256, %broadcast_in_dim3A_42 : vector<16xi32>
        %parallel_loop3A_291 = arith.constant 6144 : i32
        %parallel_loop3A_292 = arith.addi %mul3A_152, %parallel_loop3A_291 : i32
        %parallel_loop3A_293 = arith.constant 16 : i32
        %parallel_loop3A_294 = arith.muli %parallel_loop3A_249, %parallel_loop3A_293 : i32
        %parallel_loop3A_295 = arith.addi %parallel_loop3A_292, %parallel_loop3A_294 : i32
        %parallel_loop3A_296 = arith.index_cast %parallel_loop3A_295 : i32 to index
        %parallel_loop3A_297 = tpu.vector_load %arg5[%parallel_loop3A_296] {strides = array<i32>} : memref<16400xf32, #tpu.memory_space<vmem>>, vector<16xf32>,
        %parallel_loop3A_298 = arith.cmpf oge, %parallel_loop3A_297, %broadcast_in_dim3A_179 : vector<16xf32>
        tpu.vector_store_idx %arg6[%parallel_loop3A_253], %parallel_loop3A_257 masked %parallel_loop3A_298 : memref<8256xi32, #tpu.memory_space<vmem>>[vector<16xi32>], vector<16xi32>, vector<16xi1>
        %parallel_loop3A_299 = arith.addi %parallel_loop3A_253, %broadcast_in_dim3A_42 : vector<16xi32>
        %parallel_loop3A_300 = arith.select %parallel_loop3A_298, %parallel_loop3A_299, %parallel_loop3A_253 : vector<16xi1>, vector<16xi32>
        %parallel_loop3A_301 = arith.addi %parallel_loop3A_257, %broadcast_in_dim3A_42 : vector<16xi32>
        scf.yield %parallel_loop3A_267, %parallel_loop3A_278, %parallel_loop3A_289, %parallel_loop3A_300, %parallel_loop3A_268, %parallel_loop3A_279, %parallel_loop3A_290, %parallel_loop3A_301 : vector<16xi32>, vector<16xi32>, vector<16xi32>, vector<16xi32>, vector<16xi32>, vector<16xi32>, vector<16xi32>, vector<16xi32>
      } {sc.loop_unroll_factor = 2 : i64, sc.parallel_access}
      %sub3A = arith.subi %parallel_loop3A_198#0, %broadcast_in_dim3A_44 : vector<16xi32>
      %sub3A_199 = arith.subi %parallel_loop3A_198#1, %broadcast_in_dim3A_46 : vector<16xi32>
      %sub3A_200 = arith.subi %parallel_loop3A_198#2, %broadcast_in_dim3A_48 : vector<16xi32>
      %sub3A_201 = arith.subi %parallel_loop3A_198#3, %broadcast_in_dim3A_50 : vector<16xi32>
      %max3A_202 = arith.maxsi %sub3A, %sub3A_199 : vector<16xi32>
      %max3A_203 = arith.maxsi %sub3A_200, %sub3A_201 : vector<16xi32>
      %max3A_204 = arith.maxsi %max3A_202, %max3A_203 : vector<16xi32>
      %reduce_max3A = arith.constant true
      %reduce_max3A_205 = vector.broadcast %reduce_max3A : i1 to vector<16xi1>
      %reduce_max3A_206 = arith.constant -2147483648 : i32
      %reduce_max3A_207 = vector.broadcast %reduce_max3A_206 : i32 to vector<16xi32>
      %reduce_max3A_208 = arith.xori %max3A_204, %reduce_max3A_207 : vector<16xi32>
      %reduce_max3A_209 = tpu.scan <max>, %reduce_max3A_208 masked %reduce_max3A_205 : vector<16xi32>, vector<16xi1> -> vector<16xi32>
      %reduce_max3A_210 = arith.xori %reduce_max3A_209, %reduce_max3A_207 : vector<16xi32>
      %reduce_max3A_211 = vector.extract %reduce_max3A_210[15] : i32 from vector<16xi32>
      %jit3A = arith.constant 16 : i32
      %div3A = arith.divsi %reduce_max3A_211, %jit3A : i32
      %sign3A = arith.constant 0 : i32
      %sign3A_212 = arith.cmpi sgt, %reduce_max3A_211, %sign3A : i32
      %sign3A_213 = arith.extui %sign3A_212 : i1 to i32
      %sign3A_214 = arith.constant 0 : i32
      %sign3A_215 = arith.cmpi slt, %reduce_max3A_211, %sign3A_214 : i32
      %sign3A_216 = arith.extui %sign3A_215 : i1 to i32
      %sign3A_217 = arith.subi %sign3A_213, %sign3A_216 : i32
      %sign3A_218 = arith.constant 0 : i32
      %sign3A_219 = arith.cmpi sgt, %jit3A, %sign3A_218 : i32
      %sign3A_220 = arith.extui %sign3A_219 : i1 to i32
      %sign3A_221 = arith.constant 0 : i32
      %sign3A_222 = arith.cmpi slt, %jit3A, %sign3A_221 : i32
      %sign3A_223 = arith.extui %sign3A_222 : i1 to i32
      %sign3A_224 = arith.subi %sign3A_220, %sign3A_223 : i32
      %ne3A = arith.cmpi ne, %sign3A_217, %sign3A_224 : i32
      %rem3A = arith.remsi %reduce_max3A_211, %jit3A : i32
      %ne3A_225 = arith.constant 0 : i32
      %ne3A_226 = arith.cmpi ne, %rem3A, %ne3A_225 : i32
      %and3A = arith.andi %ne3A, %ne3A_226 : i1
      %sub3A_227 = arith.constant 1 : i32
      %sub3A_228 = arith.subi %div3A, %sub3A_227 : i32
      %select_n3A_229 = arith.select %and3A, %sub3A_228, %div3A : i32
      %broadcast_in_dim3A_230 = vector.broadcast %mul3A_152 : i32 to vector<16xi32>
      %while3A = arith.constant 0 : i32
      %while3A_231 = arith.subi %select_n3A_229, %while3A : i32
      %while3A_232 = arith.addi %while3A, %while3A_231 : i32
      %while3A_233 = arith.constant 1 : i32
      %while3A_234 = arith.divsi %while3A_231, %while3A_233 : i32
      %while3A_235 = arith.muli %while3A_234, %while3A_233 : i32
      %while3A_236 = arith.addi %while3A, %while3A_235 : i32
      %while3A_237 = arith.constant 1 : i32
      %while3A_238:2 = scf.for %while3A_249 = %while3A to %while3A_236 step %while3A_237 iter_args(%while3A_250 = %broadcast_in_dim3A_38, %while3A_251 = %iota3A) -> (vector<16xf32>, vector<16xi32>)  : i32 {
        %mul3A_252 = arith.constant 16 : i32
        %mul3A_253 = arith.muli %while3A_249, %mul3A_252 : i32
        %add3A_254 = vector.broadcast %mul3A_253 : i32 to vector<16xi32>
        %add3A_255 = arith.addi %add3A_254, %iota3A : vector<16xi32>
        %lt3A_256 = arith.cmpi slt, %add3A_255, %sub3A : vector<16xi32>
        %mul3A_257 = arith.constant 16 : i32
        %mul3A_258 = arith.muli %while3A_249, %mul3A_257 : i32
        %add3A_259 = arith.constant 0 : i32
        %add3A_260 = arith.addi %add3A_259, %mul3A_258 : i32
        %get3A = arith.index_cast %add3A_260 : i32 to index
        %get3A_261 = tpu.vector_load %arg6[%get3A] {strides = array<i32>} : memref<8256xi32, #tpu.memory_space<vmem>>, vector<16xi32>,
        %add3A_262 = arith.addi %get3A_261, %broadcast_in_dim3A_230 : vector<16xi32>
        %select_n3A_263 = arith.select %lt3A_256, %add3A_262, %broadcast_in_dim3A_40 : vector<16xi1>, vector<16xi32>
        %gather3A = tpu.vector_load_idx %arg5[%select_n3A_263] : memref<16400xf32, #tpu.memory_space<vmem>>[vector<16xi32>], vector<16xf32>,
        %select_n3A_264 = arith.select %lt3A_256, %get3A_261, %broadcast_in_dim3A_40 : vector<16xi1>, vector<16xi32>
        %masked_sort3A_265 = arith.constant dense<true> : vector<16xi1>
        %masked_sort3A_266, %masked_sort3A_267, %masked_sort3A_268 = tpu.sort %gather3A, %select_n3A_264 masked %masked_sort3A_265 : (vector<16xf32>, vector<16xi32>, vector<16xi1>) -> (vector<16xi1>, vector<16xf32>, vector<16xi32>)
        %ge3A = arith.cmpf oge, %while3A_250, %masked_sort3A_267 : vector<16xf32>
        %select_n3A_269 = arith.select %ge3A, %while3A_250, %masked_sort3A_267 : vector<16xi1>, vector<16xf32>
        %select_n3A_270 = arith.select %ge3A, %while3A_251, %masked_sort3A_268 : vector<16xi1>, vector<16xi32>
        %masked_sort3A_271 = arith.constant dense<true> : vector<16xi1>
        %masked_sort3A_272, %masked_sort3A_273, %masked_sort3A_274 = tpu.sort %select_n3A_269, %select_n3A_270 masked %masked_sort3A_271 {descending = true} : (vector<16xf32>, vector<16xi32>, vector<16xi1>) -> (vector<16xi1>, vector<16xf32>, vector<16xi32>)
        %lt3A_275 = arith.cmpi slt, %add3A_255, %sub3A_199 : vector<16xi32>
        %mul3A_276 = arith.constant 16 : i32
        %mul3A_277 = arith.muli %while3A_249, %mul3A_276 : i32
        %add3A_278 = arith.constant 2064 : i32
        %add3A_279 = arith.addi %add3A_278, %mul3A_277 : i32
        %get3A_280 = arith.index_cast %add3A_279 : i32 to index
        %get3A_281 = tpu.vector_load %arg6[%get3A_280] {strides = array<i32>} : memref<8256xi32, #tpu.memory_space<vmem>>, vector<16xi32>,
        %add3A_282 = arith.addi %get3A_281, %broadcast_in_dim3A_230 : vector<16xi32>
        %select_n3A_283 = arith.select %lt3A_275, %add3A_282, %broadcast_in_dim3A_40 : vector<16xi1>, vector<16xi32>
        %gather3A_284 = tpu.vector_load_idx %arg5[%select_n3A_283] : memref<16400xf32, #tpu.memory_space<vmem>>[vector<16xi32>], vector<16xf32>,
        %select_n3A_285 = arith.select %lt3A_275, %get3A_281, %broadcast_in_dim3A_40 : vector<16xi1>, vector<16xi32>
        %masked_sort3A_286 = arith.constant dense<true> : vector<16xi1>
        %masked_sort3A_287, %masked_sort3A_288, %masked_sort3A_289 = tpu.sort %gather3A_284, %select_n3A_285 masked %masked_sort3A_286 : (vector<16xf32>, vector<16xi32>, vector<16xi1>) -> (vector<16xi1>, vector<16xf32>, vector<16xi32>)
        %ge3A_290 = arith.cmpf oge, %masked_sort3A_273, %masked_sort3A_288 : vector<16xf32>
        %select_n3A_291 = arith.select %ge3A_290, %masked_sort3A_273, %masked_sort3A_288 : vector<16xi1>, vector<16xf32>
        %select_n3A_292 = arith.select %ge3A_290, %masked_sort3A_274, %masked_sort3A_289 : vector<16xi1>, vector<16xi32>
        %masked_sort3A_293 = arith.constant dense<true> : vector<16xi1>
        %masked_sort3A_294, %masked_sort3A_295, %masked_sort3A_296 = tpu.sort %select_n3A_291, %select_n3A_292 masked %masked_sort3A_293 {descending = true} : (vector<16xf32>, vector<16xi32>, vector<16xi1>) -> (vector<16xi1>, vector<16xf32>, vector<16xi32>)
        %lt3A_297 = arith.cmpi slt, %add3A_255, %sub3A_200 : vector<16xi32>
        %mul3A_298 = arith.constant 16 : i32
        %mul3A_299 = arith.muli %while3A_249, %mul3A_298 : i32
        %add3A_300 = arith.constant 4128 : i32
        %add3A_301 = arith.addi %add3A_300, %mul3A_299 : i32
        %get3A_302 = arith.index_cast %add3A_301 : i32 to index
        %get3A_303 = tpu.vector_load %arg6[%get3A_302] {strides = array<i32>} : memref<8256xi32, #tpu.memory_space<vmem>>, vector<16xi32>,
        %add3A_304 = arith.addi %get3A_303, %broadcast_in_dim3A_230 : vector<16xi32>
        %select_n3A_305 = arith.select %lt3A_297, %add3A_304, %broadcast_in_dim3A_40 : vector<16xi1>, vector<16xi32>
        %gather3A_306 = tpu.vector_load_idx %arg5[%select_n3A_305] : memref<16400xf32, #tpu.memory_space<vmem>>[vector<16xi32>], vector<16xf32>,
        %select_n3A_307 = arith.select %lt3A_297, %get3A_303, %broadcast_in_dim3A_40 : vector<16xi1>, vector<16xi32>
        %masked_sort3A_308 = arith.constant dense<true> : vector<16xi1>
        %masked_sort3A_309, %masked_sort3A_310, %masked_sort3A_311 = tpu.sort %gather3A_306, %select_n3A_307 masked %masked_sort3A_308 : (vector<16xf32>, vector<16xi32>, vector<16xi1>) -> (vector<16xi1>, vector<16xf32>, vector<16xi32>)
        %ge3A_312 = arith.cmpf oge, %masked_sort3A_295, %masked_sort3A_310 : vector<16xf32>
        %select_n3A_313 = arith.select %ge3A_312, %masked_sort3A_295, %masked_sort3A_310 : vector<16xi1>, vector<16xf32>
        %select_n3A_314 = arith.select %ge3A_312, %masked_sort3A_296, %masked_sort3A_311 : vector<16xi1>, vector<16xi32>
        %masked_sort3A_315 = arith.constant dense<true> : vector<16xi1>
        %masked_sort3A_316, %masked_sort3A_317, %masked_sort3A_318 = tpu.sort %select_n3A_313, %select_n3A_314 masked %masked_sort3A_315 {descending = true} : (vector<16xf32>, vector<16xi32>, vector<16xi1>) -> (vector<16xi1>, vector<16xf32>, vector<16xi32>)
        %lt3A_319 = arith.cmpi slt, %add3A_255, %sub3A_201 : vector<16xi32>
        %mul3A_320 = arith.constant 16 : i32
        %mul3A_321 = arith.muli %while3A_249, %mul3A_320 : i32
        %add3A_322 = arith.constant 6192 : i32
        %add3A_323 = arith.addi %add3A_322, %mul3A_321 : i32
        %get3A_324 = arith.index_cast %add3A_323 : i32 to index
        %get3A_325 = tpu.vector_load %arg6[%get3A_324] {strides = array<i32>} : memref<8256xi32, #tpu.memory_space<vmem>>, vector<16xi32>,
        %add3A_326 = arith.addi %get3A_325, %broadcast_in_dim3A_230 : vector<16xi32>
        %select_n3A_327 = arith.select %lt3A_319, %add3A_326, %broadcast_in_dim3A_40 : vector<16xi1>, vector<16xi32>
        %gather3A_328 = tpu.vector_load_idx %arg5[%select_n3A_327] : memref<16400xf32, #tpu.memory_space<vmem>>[vector<16xi32>], vector<16xf32>,
        %select_n3A_329 = arith.select %lt3A_319, %get3A_325, %broadcast_in_dim3A_40 : vector<16xi1>, vector<16xi32>
        %masked_sort3A_330 = arith.constant dense<true> : vector<16xi1>
        %masked_sort3A_331, %masked_sort3A_332, %masked_sort3A_333 = tpu.sort %gather3A_328, %select_n3A_329 masked %masked_sort3A_330 : (vector<16xf32>, vector<16xi32>, vector<16xi1>) -> (vector<16xi1>, vector<16xf32>, vector<16xi32>)
        %ge3A_334 = arith.cmpf oge, %masked_sort3A_317, %masked_sort3A_332 : vector<16xf32>
        %select_n3A_335 = arith.select %ge3A_334, %masked_sort3A_317, %masked_sort3A_332 : vector<16xi1>, vector<16xf32>
        %select_n3A_336 = arith.select %ge3A_334, %masked_sort3A_318, %masked_sort3A_333 : vector<16xi1>, vector<16xi32>
        %masked_sort3A_337 = arith.constant dense<true> : vector<16xi1>
        %masked_sort3A_338, %masked_sort3A_339, %masked_sort3A_340 = tpu.sort %select_n3A_335, %select_n3A_336 masked %masked_sort3A_337 {descending = true} : (vector<16xf32>, vector<16xi32>, vector<16xi1>) -> (vector<16xi1>, vector<16xf32>, vector<16xi32>)
        scf.yield %masked_sort3A_339, %masked_sort3A_340 : vector<16xf32>, vector<16xi32>
      }
      %while3A_239 = arith.constant 1 : i32
      %while3A_240:2 = scf.for %while3A_249 = %while3A_236 to %while3A_232 step %while3A_239 iter_args(%while3A_250 = %while3A_238#0, %while3A_251 = %while3A_238#1) -> (vector<16xf32>, vector<16xi32>)  : i32 {
        %mul3A_252 = arith.constant 16 : i32
        %mul3A_253 = arith.muli %while3A_249, %mul3A_252 : i32
        %add3A_254 = vector.broadcast %mul3A_253 : i32 to vector<16xi32>
        %add3A_255 = arith.addi %add3A_254, %iota3A : vector<16xi32>
        %lt3A_256 = arith.cmpi slt, %add3A_255, %sub3A : vector<16xi32>
        %mul3A_257 = arith.constant 16 : i32
        %mul3A_258 = arith.muli %while3A_249, %mul3A_257 : i32
        %add3A_259 = arith.constant 0 : i32
        %add3A_260 = arith.addi %add3A_259, %mul3A_258 : i32
        %get3A = arith.index_cast %add3A_260 : i32 to index
        %get3A_261 = tpu.vector_load %arg6[%get3A] {strides = array<i32>} : memref<8256xi32, #tpu.memory_space<vmem>>, vector<16xi32>,
        %add3A_262 = arith.addi %get3A_261, %broadcast_in_dim3A_230 : vector<16xi32>
        %select_n3A_263 = arith.select %lt3A_256, %add3A_262, %broadcast_in_dim3A_40 : vector<16xi1>, vector<16xi32>
        %gather3A = tpu.vector_load_idx %arg5[%select_n3A_263] : memref<16400xf32, #tpu.memory_space<vmem>>[vector<16xi32>], vector<16xf32>,
        %select_n3A_264 = arith.select %lt3A_256, %get3A_261, %broadcast_in_dim3A_40 : vector<16xi1>, vector<16xi32>
        %masked_sort3A_265 = arith.constant dense<true> : vector<16xi1>
        %masked_sort3A_266, %masked_sort3A_267, %masked_sort3A_268 = tpu.sort %gather3A, %select_n3A_264 masked %masked_sort3A_265 : (vector<16xf32>, vector<16xi32>, vector<16xi1>) -> (vector<16xi1>, vector<16xf32>, vector<16xi32>)
        %ge3A = arith.cmpf oge, %while3A_250, %masked_sort3A_267 : vector<16xf32>
        %select_n3A_269 = arith.select %ge3A, %while3A_250, %masked_sort3A_267 : vector<16xi1>, vector<16xf32>
        %select_n3A_270 = arith.select %ge3A, %while3A_251, %masked_sort3A_268 : vector<16xi1>, vector<16xi32>
        %masked_sort3A_271 = arith.constant dense<true> : vector<16xi1>
        %masked_sort3A_272, %masked_sort3A_273, %masked_sort3A_274 = tpu.sort %select_n3A_269, %select_n3A_270 masked %masked_sort3A_271 {descending = true} : (vector<16xf32>, vector<16xi32>, vector<16xi1>) -> (vector<16xi1>, vector<16xf32>, vector<16xi32>)
        %lt3A_275 = arith.cmpi slt, %add3A_255, %sub3A_199 : vector<16xi32>
        %mul3A_276 = arith.constant 16 : i32
        %mul3A_277 = arith.muli %while3A_249, %mul3A_276 : i32
        %add3A_278 = arith.constant 2064 : i32
        %add3A_279 = arith.addi %add3A_278, %mul3A_277 : i32
        %get3A_280 = arith.index_cast %add3A_279 : i32 to index
        %get3A_281 = tpu.vector_load %arg6[%get3A_280] {strides = array<i32>} : memref<8256xi32, #tpu.memory_space<vmem>>, vector<16xi32>,
        %add3A_282 = arith.addi %get3A_281, %broadcast_in_dim3A_230 : vector<16xi32>
        %select_n3A_283 = arith.select %lt3A_275, %add3A_282, %broadcast_in_dim3A_40 : vector<16xi1>, vector<16xi32>
        %gather3A_284 = tpu.vector_load_idx %arg5[%select_n3A_283] : memref<16400xf32, #tpu.memory_space<vmem>>[vector<16xi32>], vector<16xf32>,
        %select_n3A_285 = arith.select %lt3A_275, %get3A_281, %broadcast_in_dim3A_40 : vector<16xi1>, vector<16xi32>
        %masked_sort3A_286 = arith.constant dense<true> : vector<16xi1>
        %masked_sort3A_287, %masked_sort3A_288, %masked_sort3A_289 = tpu.sort %gather3A_284, %select_n3A_285 masked %masked_sort3A_286 : (vector<16xf32>, vector<16xi32>, vector<16xi1>) -> (vector<16xi1>, vector<16xf32>, vector<16xi32>)
        %ge3A_290 = arith.cmpf oge, %masked_sort3A_273, %masked_sort3A_288 : vector<16xf32>
        %select_n3A_291 = arith.select %ge3A_290, %masked_sort3A_273, %masked_sort3A_288 : vector<16xi1>, vector<16xf32>
        %select_n3A_292 = arith.select %ge3A_290, %masked_sort3A_274, %masked_sort3A_289 : vector<16xi1>, vector<16xi32>
        %masked_sort3A_293 = arith.constant dense<true> : vector<16xi1>
        %masked_sort3A_294, %masked_sort3A_295, %masked_sort3A_296 = tpu.sort %select_n3A_291, %select_n3A_292 masked %masked_sort3A_293 {descending = true} : (vector<16xf32>, vector<16xi32>, vector<16xi1>) -> (vector<16xi1>, vector<16xf32>, vector<16xi32>)
        %lt3A_297 = arith.cmpi slt, %add3A_255, %sub3A_200 : vector<16xi32>
        %mul3A_298 = arith.constant 16 : i32
        %mul3A_299 = arith.muli %while3A_249, %mul3A_298 : i32
        %add3A_300 = arith.constant 4128 : i32
        %add3A_301 = arith.addi %add3A_300, %mul3A_299 : i32
        %get3A_302 = arith.index_cast %add3A_301 : i32 to index
        %get3A_303 = tpu.vector_load %arg6[%get3A_302] {strides = array<i32>} : memref<8256xi32, #tpu.memory_space<vmem>>, vector<16xi32>,
        %add3A_304 = arith.addi %get3A_303, %broadcast_in_dim3A_230 : vector<16xi32>
        %select_n3A_305 = arith.select %lt3A_297, %add3A_304, %broadcast_in_dim3A_40 : vector<16xi1>, vector<16xi32>
        %gather3A_306 = tpu.vector_load_idx %arg5[%select_n3A_305] : memref<16400xf32, #tpu.memory_space<vmem>>[vector<16xi32>], vector<16xf32>,
        %select_n3A_307 = arith.select %lt3A_297, %get3A_303, %broadcast_in_dim3A_40 : vector<16xi1>, vector<16xi32>
        %masked_sort3A_308 = arith.constant dense<true> : vector<16xi1>
        %masked_sort3A_309, %masked_sort3A_310, %masked_sort3A_311 = tpu.sort %gather3A_306, %select_n3A_307 masked %masked_sort3A_308 : (vector<16xf32>, vector<16xi32>, vector<16xi1>) -> (vector<16xi1>, vector<16xf32>, vector<16xi32>)
        %ge3A_312 = arith.cmpf oge, %masked_sort3A_295, %masked_sort3A_310 : vector<16xf32>
        %select_n3A_313 = arith.select %ge3A_312, %masked_sort3A_295, %masked_sort3A_310 : vector<16xi1>, vector<16xf32>
        %select_n3A_314 = arith.select %ge3A_312, %masked_sort3A_296, %masked_sort3A_311 : vector<16xi1>, vector<16xi32>
        %masked_sort3A_315 = arith.constant dense<true> : vector<16xi1>
        %masked_sort3A_316, %masked_sort3A_317, %masked_sort3A_318 = tpu.sort %select_n3A_313, %select_n3A_314 masked %masked_sort3A_315 {descending = true} : (vector<16xf32>, vector<16xi32>, vector<16xi1>) -> (vector<16xi1>, vector<16xf32>, vector<16xi32>)
        %lt3A_319 = arith.cmpi slt, %add3A_255, %sub3A_201 : vector<16xi32>
        %mul3A_320 = arith.constant 16 : i32
        %mul3A_321 = arith.muli %while3A_249, %mul3A_320 : i32
        %add3A_322 = arith.constant 6192 : i32
        %add3A_323 = arith.addi %add3A_322, %mul3A_321 : i32
        %get3A_324 = arith.index_cast %add3A_323 : i32 to index
        %get3A_325 = tpu.vector_load %arg6[%get3A_324] {strides = array<i32>} : memref<8256xi32, #tpu.memory_space<vmem>>, vector<16xi32>,
        %add3A_326 = arith.addi %get3A_325, %broadcast_in_dim3A_230 : vector<16xi32>
        %select_n3A_327 = arith.select %lt3A_319, %add3A_326, %broadcast_in_dim3A_40 : vector<16xi1>, vector<16xi32>
        %gather3A_328 = tpu.vector_load_idx %arg5[%select_n3A_327] : memref<16400xf32, #tpu.memory_space<vmem>>[vector<16xi32>], vector<16xf32>,
        %select_n3A_329 = arith.select %lt3A_319, %get3A_325, %broadcast_in_dim3A_40 : vector<16xi1>, vector<16xi32>
        %masked_sort3A_330 = arith.constant dense<true> : vector<16xi1>
        %masked_sort3A_331, %masked_sort3A_332, %masked_sort3A_333 = tpu.sort %gather3A_328, %select_n3A_329 masked %masked_sort3A_330 : (vector<16xf32>, vector<16xi32>, vector<16xi1>) -> (vector<16xi1>, vector<16xf32>, vector<16xi32>)
        %ge3A_334 = arith.cmpf oge, %masked_sort3A_317, %masked_sort3A_332 : vector<16xf32>
        %select_n3A_335 = arith.select %ge3A_334, %masked_sort3A_317, %masked_sort3A_332 : vector<16xi1>, vector<16xf32>
        %select_n3A_336 = arith.select %ge3A_334, %masked_sort3A_318, %masked_sort3A_333 : vector<16xi1>, vector<16xi32>
        %masked_sort3A_337 = arith.constant dense<true> : vector<16xi1>
        %masked_sort3A_338, %masked_sort3A_339, %masked_sort3A_340 = tpu.sort %select_n3A_335, %select_n3A_336 masked %masked_sort3A_337 {descending = true} : (vector<16xf32>, vector<16xi32>, vector<16xi1>) -> (vector<16xi1>, vector<16xf32>, vector<16xi32>)
        scf.yield %masked_sort3A_339, %masked_sort3A_340 : vector<16xf32>, vector<16xi32>
      }
      %mul3A_241 = arith.constant 16 : i32
      %mul3A_242 = arith.muli %scan3A_150, %mul3A_241 : i32
      %swap3A_243 = arith.index_cast %mul3A_242 : i32 to index
      %swap3A_244 = tpu.vector_load %arg7[%swap3A_243] {strides = array<i32>} : memref<32xf32, #tpu.memory_space<vmem>>, vector<16xf32>,
      tpu.vector_store %arg7[%swap3A_243], %while3A_240#0 {strides = array<i32>} : memref<32xf32, #tpu.memory_space<vmem>>, vector<16xf32>,
      %mul3A_245 = arith.constant 16 : i32
      %mul3A_246 = arith.muli %scan3A_150, %mul3A_245 : i32
      %swap3A_247 = arith.index_cast %mul3A_246 : i32 to index
      %swap3A_248 = tpu.vector_load %arg8[%swap3A_247] {strides = array<i32>} : memref<32xi32, #tpu.memory_space<vmem>>, vector<16xi32>,
      tpu.vector_store %arg8[%swap3A_247], %while3A_240#1 {strides = array<i32>} : memref<32xi32, #tpu.memory_space<vmem>>, vector<16xi32>,
    }
    %scan3A_85 = arith.constant 2 : i32
    %add3A_86 = arith.constant 0 : i32
    %add3A_87 = arith.addi %mul3A_2, %add3A_86 : i32
    %mul3A_88 = arith.constant 8 : i32
    %mul3A_89 = arith.muli %add3A_87, %mul3A_88 : i32
    %dma_start3A_90 = arith.constant 0 : i32
    %dma_start3A_91 = tpu.memref_slice %arg7[%dma_start3A_90] : memref<32xf32, #tpu.memory_space<vmem>> -> memref<8xf32, #tpu.memory_space<vmem>>
    %dma_start3A_92 = tpu.memref_slice %arg3[%mul3A_89] : memref<512xf32, #tpu.memory_space<hbm>> -> memref<8xf32, #tpu.memory_space<hbm>>
    %dma_start3A_93 = tpu.memref_slice %arg3[%mul3A_89] : memref<512xf32, #tpu.memory_space<hbm>> -> memref<8xf32, #tpu.memory_space<hbm>>
    %dma_start3A_94 = arith.constant 0 : i32
    %dma_start3A_95 = tpu.memref_slice %arg7[%dma_start3A_94] : memref<32xf32, #tpu.memory_space<vmem>> -> memref<8xf32, #tpu.memory_space<vmem>>
    tpu.enqueue_dma source(%dma_start3A_95 : memref<8xf32, #tpu.memory_space<vmem>>) target(%dma_start3A_93 : memref<8xf32, #tpu.memory_space<hbm>>) target_semaphore(%arg12 : memref<!tpu.dma_semaphore, #tpu.memory_space<semaphore_mem>>)
    %add3A_96 = arith.constant 0 : i32
    %add3A_97 = arith.addi %mul3A_2, %add3A_96 : i32
    %mul3A_98 = arith.constant 8 : i32
    %mul3A_99 = arith.muli %add3A_97, %mul3A_98 : i32
    %dma_start3A_100 = arith.constant 0 : i32
    %dma_start3A_101 = tpu.memref_slice %arg8[%dma_start3A_100] : memref<32xi32, #tpu.memory_space<vmem>> -> memref<8xi32, #tpu.memory_space<vmem>>
    %dma_start3A_102 = tpu.memref_slice %arg4[%mul3A_99] : memref<512xi32, #tpu.memory_space<hbm>> -> memref<8xi32, #tpu.memory_space<hbm>>
    %dma_start3A_103 = tpu.memref_slice %arg4[%mul3A_99] : memref<512xi32, #tpu.memory_space<hbm>> -> memref<8xi32, #tpu.memory_space<hbm>>
    %dma_start3A_104 = arith.constant 0 : i32
    %dma_start3A_105 = tpu.memref_slice %arg8[%dma_start3A_104] : memref<32xi32, #tpu.memory_space<vmem>> -> memref<8xi32, #tpu.memory_space<vmem>>
    tpu.enqueue_dma source(%dma_start3A_105 : memref<8xi32, #tpu.memory_space<vmem>>) target(%dma_start3A_103 : memref<8xi32, #tpu.memory_space<hbm>>) target_semaphore(%arg13 : memref<!tpu.dma_semaphore, #tpu.memory_space<semaphore_mem>>)
    %add3A_106 = arith.constant 1 : i32
    %add3A_107 = arith.addi %mul3A_2, %add3A_106 : i32
    %mul3A_108 = arith.constant 8 : i32
    %mul3A_109 = arith.muli %add3A_107, %mul3A_108 : i32
    %dma_start3A_110 = arith.constant 16 : i32
    %dma_start3A_111 = tpu.memref_slice %arg7[%dma_start3A_110] : memref<32xf32, #tpu.memory_space<vmem>> -> memref<8xf32, #tpu.memory_space<vmem>>
    %dma_start3A_112 = tpu.memref_slice %arg3[%mul3A_109] : memref<512xf32, #tpu.memory_space<hbm>> -> memref<8xf32, #tpu.memory_space<hbm>>
    %dma_start3A_113 = tpu.memref_slice %arg3[%mul3A_109] : memref<512xf32, #tpu.memory_space<hbm>> -> memref<8xf32, #tpu.memory_space<hbm>>
    %dma_start3A_114 = arith.constant 16 : i32
    %dma_start3A_115 = tpu.memref_slice %arg7[%dma_start3A_114] : memref<32xf32, #tpu.memory_space<vmem>> -> memref<8xf32, #tpu.memory_space<vmem>>
    tpu.enqueue_dma source(%dma_start3A_115 : memref<8xf32, #tpu.memory_space<vmem>>) target(%dma_start3A_113 : memref<8xf32, #tpu.memory_space<hbm>>) target_semaphore(%arg14 : memref<!tpu.dma_semaphore, #tpu.memory_space<semaphore_mem>>)
    %add3A_116 = arith.constant 1 : i32
    %add3A_117 = arith.addi %mul3A_2, %add3A_116 : i32
    %mul3A_118 = arith.constant 8 : i32
    %mul3A_119 = arith.muli %add3A_117, %mul3A_118 : i32
    %dma_start3A_120 = arith.constant 16 : i32
    %dma_start3A_121 = tpu.memref_slice %arg8[%dma_start3A_120] : memref<32xi32, #tpu.memory_space<vmem>> -> memref<8xi32, #tpu.memory_space<vmem>>
    %dma_start3A_122 = tpu.memref_slice %arg4[%mul3A_119] : memref<512xi32, #tpu.memory_space<hbm>> -> memref<8xi32, #tpu.memory_space<hbm>>
    %dma_start3A_123 = tpu.memref_slice %arg4[%mul3A_119] : memref<512xi32, #tpu.memory_space<hbm>> -> memref<8xi32, #tpu.memory_space<hbm>>
    %dma_start3A_124 = arith.constant 16 : i32
    %dma_start3A_125 = tpu.memref_slice %arg8[%dma_start3A_124] : memref<32xi32, #tpu.memory_space<vmem>> -> memref<8xi32, #tpu.memory_space<vmem>>
    tpu.enqueue_dma source(%dma_start3A_125 : memref<8xi32, #tpu.memory_space<vmem>>) target(%dma_start3A_123 : memref<8xi32, #tpu.memory_space<hbm>>) target_semaphore(%arg15 : memref<!tpu.dma_semaphore, #tpu.memory_space<semaphore_mem>>)
    %dma_wait3A_126 = arith.constant 0 : i32
    %dma_wait3A_127 = tpu.memref_slice %arg7[%dma_wait3A_126] : memref<32xf32, #tpu.memory_space<vmem>> -> memref<8xf32, #tpu.memory_space<vmem>>
    %dma_wait3A_128 = tpu.memref_slice %arg3[%mul3A_89] : memref<512xf32, #tpu.memory_space<hbm>> -> memref<8xf32, #tpu.memory_space<hbm>>
    %dma_wait3A_129 = tpu.memref_slice %arg3[%mul3A_89] : memref<512xf32, #tpu.memory_space<hbm>> -> memref<8xf32, #tpu.memory_space<hbm>>
    %dma_wait3A_130 = arith.constant 0 : i32
    %dma_wait3A_131 = tpu.memref_slice %arg7[%dma_wait3A_130] : memref<32xf32, #tpu.memory_space<vmem>> -> memref<8xf32, #tpu.memory_space<vmem>>
    tpu.wait_dma2 semaphore(%arg12 : memref<!tpu.dma_semaphore, #tpu.memory_space<semaphore_mem>>) src(%dma_wait3A_131 : memref<8xf32, #tpu.memory_space<vmem>>) dst(%dma_wait3A_129 : memref<8xf32, #tpu.memory_space<hbm>>)
    %dma_wait3A_132 = arith.constant 0 : i32
    %dma_wait3A_133 = tpu.memref_slice %arg8[%dma_wait3A_132] : memref<32xi32, #tpu.memory_space<vmem>> -> memref<8xi32, #tpu.memory_space<vmem>>
    %dma_wait3A_134 = tpu.memref_slice %arg4[%mul3A_99] : memref<512xi32, #tpu.memory_space<hbm>> -> memref<8xi32, #tpu.memory_space<hbm>>
    %dma_wait3A_135 = tpu.memref_slice %arg4[%mul3A_99] : memref<512xi32, #tpu.memory_space<hbm>> -> memref<8xi32, #tpu.memory_space<hbm>>
    %dma_wait3A_136 = arith.constant 0 : i32
    %dma_wait3A_137 = tpu.memref_slice %arg8[%dma_wait3A_136] : memref<32xi32, #tpu.memory_space<vmem>> -> memref<8xi32, #tpu.memory_space<vmem>>
    tpu.wait_dma2 semaphore(%arg13 : memref<!tpu.dma_semaphore, #tpu.memory_space<semaphore_mem>>) src(%dma_wait3A_137 : memref<8xi32, #tpu.memory_space<vmem>>) dst(%dma_wait3A_135 : memref<8xi32, #tpu.memory_space<hbm>>)
    %dma_wait3A_138 = arith.constant 16 : i32
    %dma_wait3A_139 = tpu.memref_slice %arg7[%dma_wait3A_138] : memref<32xf32, #tpu.memory_space<vmem>> -> memref<8xf32, #tpu.memory_space<vmem>>
    %dma_wait3A_140 = tpu.memref_slice %arg3[%mul3A_109] : memref<512xf32, #tpu.memory_space<hbm>> -> memref<8xf32, #tpu.memory_space<hbm>>
    %dma_wait3A_141 = tpu.memref_slice %arg3[%mul3A_109] : memref<512xf32, #tpu.memory_space<hbm>> -> memref<8xf32, #tpu.memory_space<hbm>>
    %dma_wait3A_142 = arith.constant 16 : i32
    %dma_wait3A_143 = tpu.memref_slice %arg7[%dma_wait3A_142] : memref<32xf32, #tpu.memory_space<vmem>> -> memref<8xf32, #tpu.memory_space<vmem>>
    tpu.wait_dma2 semaphore(%arg14 : memref<!tpu.dma_semaphore, #tpu.memory_space<semaphore_mem>>) src(%dma_wait3A_143 : memref<8xf32, #tpu.memory_space<vmem>>) dst(%dma_wait3A_141 : memref<8xf32, #tpu.memory_space<hbm>>)
    %dma_wait3A_144 = arith.constant 16 : i32
    %dma_wait3A_145 = tpu.memref_slice %arg8[%dma_wait3A_144] : memref<32xi32, #tpu.memory_space<vmem>> -> memref<8xi32, #tpu.memory_space<vmem>>
    %dma_wait3A_146 = tpu.memref_slice %arg4[%mul3A_119] : memref<512xi32, #tpu.memory_space<hbm>> -> memref<8xi32, #tpu.memory_space<hbm>>
    %dma_wait3A_147 = tpu.memref_slice %arg4[%mul3A_119] : memref<512xi32, #tpu.memory_space<hbm>> -> memref<8xi32, #tpu.memory_space<hbm>>
    %dma_wait3A_148 = arith.constant 16 : i32
    %dma_wait3A_149 = tpu.memref_slice %arg8[%dma_wait3A_148] : memref<32xi32, #tpu.memory_space<vmem>> -> memref<8xi32, #tpu.memory_space<vmem>>
    tpu.wait_dma2 semaphore(%arg15 : memref<!tpu.dma_semaphore, #tpu.memory_space<semaphore_mem>>) src(%dma_wait3A_149 : memref<8xi32, #tpu.memory_space<vmem>>) dst(%dma_wait3A_147 : memref<8xi32, #tpu.memory_space<hbm>>)
    return
  }
}

</mosaic_0001>

<sc_bundles>
// kernel: kernel.3.cloned.1.call-start
scs
__scs_entry_jumppad:
0x0: {  	(pc) =	sbr.rel $0x88, $3  }
0x1: {  	(tag) =	ssettag $0x0;
	lr =	simm.s32 $0x1  }
0x2: {  	[smem:$0x3FA0] =	sst lr;
	_ =	strace $0xD0000000  }
0x3: {  	_ = 	snop  }
0x4: {  	_ = 	snop  }
0x5: {  	_ = 	snop  }
0x6: {  	_ = 	snop  }
0x7: {  	_ = 	snop  }
__scs_overlays_trampoline_lowered:
0x8: {  	[smem:$0x3FAF] =	sst s0  }
0x9: {  	[smem:$0x3FB0] =	sst s1  }
0xa: {  	[smem:$0x3FB1] =	sst s2  }
0xb: {  	[smem:$0x3FB2] =	sst s3  }
0xc: {  	[smem:$0x3FB3] =	sst s4  }
0xd: {  	[smem:$0x3FB4] =	sst s5  }
0xe: {  	[smem:$0x3FB5] =	sst s6  }
0xf: {  	[smem:$0x3FB6] =	sst s7  }
0x10: {  	[smem:$0x3FB7] =	sst s8  }
0x11: {  	[smem:$0x3FB8] =	sst s9;
	s0 =	simm.s32 @!p0 $0x0  }
0x12: {  	s1 =	sld [smem:$0x3F9E];
	s0 =	simm.s32 @p0 $0x1  }
0x13: {  	[smem:$0x3FB9] =	sst s0;
	s0 =	simm.s32 @!p1 $0x0  }
0x14: {  	s2 =	sld [smem:$0x3F9D];
	s0 =	simm.s32 @p1 $0x1  }
0x15: {  	[smem:$0x3FBA] =	sst s0;
	s0 =	simm.s32 @!p2 $0x0  }
0x16: {  	s3 =	sld [smem:$0x3FDB];
	s0 =	simm.s32 @p2 $0x1  }
0x17: {  	s4 =	simm.s32 $0x1BF5;
	[smem:$0x3FBC] =	sst s0  }
0x18: {  	s0 =	sld [smem:$0x3F9F];
	_ =	swait.ge [sflag:s4], $0x0  }
0x19: {  	s7 =	sld [smem:$0x3FA0]  }
0x1a: {  	s8 =	sadd.s32 $0xFFFFE003, lr  }
0x1b: {  	s9 =	sadd.s32 $0xFFFFFEF7, lr;
	s5 =	simm.s32 $0xFFFFFFFF;
	p2 =	slt.u32 s8, $0xFFFFF086  }
0x1c: {  	p1 =	slt.u32 s9, $0xF7A;
	s5 =	simm.s32 @!p2 $0x0  }
0x1d: {  	s5 =	simm.s32 @p1 $0x1;
	p0 =	seq.s32 s7, s2  }
0x1e: {  	s7 =	smul.u32 @!p0 $0xF7A, s2;
	p2 =	seq.s32 @!p0 s5, $0x0  }
0x1f: {  	s9 =	smul.u32 $0xF7A, s1;
	s8 =	simm.s32 @!p0 $0x1BF5;
	p2 =	por !p2, p0  }
0x20: {  	[sflag:s8] =	ssyncset.s32 @!p0 $0xFFFFF086;
	s6 =	sadd.s32 @!p0 s3, s7;
	s7 =	simm.s32 @!p0 $0x108  }
0x21: {  	s3 =	sadd.s32 s3, s9;
	s6 =	sadd.s32 @!p0 $0x88, s6;
	s7 =	simm.s32 @p2 $0x1082  }
0x22: {  	[simem:s7], [sflag:s8] =	dma.local @!p0 [hbm:s6], $0xF7A  }
0x23: {  	s9 =	sor.u32 $0xD0000000, s2;
	s6 =	simm.s32 $0x108;
	_ =	swait.ge @!p0 [sflag:s8], $0x0  }
0x24: {  	s3 =	sadd.s32 $0x88, s3;
	s6 =	simm.s32 @!p1 $0x1082;
	[sflag:s4] =	ssyncset.s32 $0xFFFFF086  }
0x25: {  	[simem:s6], [sflag:s4] =	dma.local [hbm:s3], $0xF7A  }
0x26: {  	[smem:$0x3FA0] =	sst s1;
	(tag) =	ssettag s2;
	_ =	strace s9  }
0x27: {  	s1 =	sld [smem:$0x3FB0]  }
0x28: {  	s2 =	sld [smem:$0x3FB1]  }
0x29: {  	s4 =	sld [smem:$0x3FB3]  }
0x2a: {  	p0 =	seq.s32 s5, $0x0;
	s5 =	sld [smem:$0x3FB4]  }
0x2b: {  	s6 =	sld [smem:$0x3FB5]  }
0x2c: {  	s7 =	sld [smem:$0x3FB6]  }
0x2d: {  	s3 =	simm.s32 $0x108;
	s8 =	sld [smem:$0x3FB7]  }
0x2e: {  	s3 =	simm.s32 @!p0 $0x1082;
	s9 =	sld [smem:$0x3FB8]  }
0x2f: {  	lr =	sadd.s32 s0, s3;
	s0 =	sld [smem:$0x3FAF]  }
0x30: {  	s3 =	sld [smem:$0x3FB2]  }
0x31: {  	[smem:$0x3FBB] =	sst s10  }
0x32: {  	s10 =	sld [smem:$0x3FB9];
	_ =	sdelay $0x3  }
0x33: {  	p0 =	seq.s32 s10, $0x1;
	s10 =	sld [smem:$0x3FBB];
	_ =	sdelay $0x3  }
0x34: {  	[smem:$0x3FBB] =	sst s10  }
0x35: {  	s10 =	sld [smem:$0x3FBA];
	_ =	sdelay $0x3  }
0x36: {  	p1 =	seq.s32 s10, $0x1;
	s10 =	sld [smem:$0x3FBB];
	_ =	sdelay $0x3  }
0x37: {  	[smem:$0x3FBB] =	sst s10  }
0x38: {  	s10 =	sld [smem:$0x3FBC]  }
0x39: {  	_ = 	snop;
	(pc) =	sbr.ind lr, $3  }
0x3a: {  	_ = 	snop  }
0x3b: {  	_ = 	snop  }
0x3c: {  	p2 =	seq.s32 s10, $0x1;
	s10 =	sld [smem:$0x3FBB]  }
0x3d: {  	_ =	shalt  }
0x3e: {  	_ =	shalt  }
0x3f: {  	_ =	shalt  }
0x40: {  	_ =	shalt  }
0x41: {  	_ =	shalt  }
0x42: {  	_ =	shalt  }
0x43: {  	_ =	shalt  }
0x44: {  	_ =	shalt  }
0x45: {  	_ =	shalt  }
0x46: {  	_ =	shalt  }
0x47: {  	_ =	shalt  }
0x48: {  	_ =	shalt  }
0x49: {  	_ =	shalt  }
0x4a: {  	_ =	shalt  }
0x4b: {  	_ =	shalt  }
0x4c: {  	_ =	shalt  }
0x4d: {  	_ =	shalt  }
0x4e: {  	_ =	shalt  }
0x4f: {  	_ =	shalt  }
0x50: {  	_ =	shalt  }
0x51: {  	_ =	shalt  }
0x52: {  	_ =	shalt  }
0x53: {  	_ =	shalt  }
0x54: {  	_ =	shalt  }
0x55: {  	_ =	shalt  }
0x56: {  	_ =	shalt  }
0x57: {  	_ =	shalt  }
0x58: {  	_ =	shalt  }
0x59: {  	_ =	shalt  }
0x5a: {  	_ =	shalt  }
0x5b: {  	_ =	shalt  }
0x5c: {  	_ =	shalt  }
0x5d: {  	_ =	shalt  }
0x5e: {  	_ =	shalt  }
0x5f: {  	_ =	shalt  }
0x60: {  	_ =	shalt  }
0x61: {  	_ =	shalt  }
0x62: {  	_ =	shalt  }
0x63: {  	_ =	shalt  }
0x64: {  	_ =	shalt  }
0x65: {  	_ =	shalt  }
0x66: {  	_ =	shalt  }
0x67: {  	_ =	shalt  }
0x68: {  	_ =	shalt  }
0x69: {  	_ =	shalt  }
0x6a: {  	_ =	shalt  }
0x6b: {  	_ =	shalt  }
0x6c: {  	_ =	shalt  }
0x6d: {  	_ =	shalt  }
0x6e: {  	_ =	shalt  }
0x6f: {  	_ =	shalt  }
0x70: {  	_ =	shalt  }
0x71: {  	_ =	shalt  }
0x72: {  	_ =	shalt  }
0x73: {  	_ =	shalt  }
0x74: {  	_ =	shalt  }
0x75: {  	_ =	shalt  }
0x76: {  	_ =	shalt  }
0x77: {  	_ =	shalt  }
0x78: {  	_ =	shalt  }
0x79: {  	_ =	shalt  }
0x7a: {  	_ =	shalt  }
0x7b: {  	_ =	shalt  }
0x7c: {  	_ =	shalt  }
0x7d: {  	_ =	shalt  }
0x7e: {  	_ =	shalt  }
0x7f: {  	_ =	shalt  }
0x80: {  	_ =	shalt  }
0x81: {  	_ =	shalt  }
0x82: {  	_ =	shalt  }
0x83: {  	_ =	shalt  }
0x84: {  	_ =	shalt  }
0x85: {  	_ =	shalt  }
0x86: {  	_ =	shalt  }
0x87: {  	_ =	shalt  }
.Lfunc_end0:
.L_simem_size_0:
called_computation_lowered:
.L_overlay_start_0:
0x88: {  	s2 =	sld [smem:$0x3FD9]  }
0x89: {  	s3 =	sld [smem:$0x3FFE];
	_ =	sdelay $0x1  }
0x8a: {  	s1 =	srdreg.scid  }
0x8b: {  	s0 =	sand.u32 $0x1, s1  }
0x8c: {  	s14 =	sshll.u32 s0, $0xA;
	s2 =	sadd.s32 s3, s2  }
0x8d: {  	s2 =	sadd.s32 s2, s14  }
0x8e: {  	[smem:$0x3FC7] =	sst s2  }
0x8f: {  	_ = 	snop  }
0x90: {  	s2 =	sld [smem:$0x3FD0];
	_ =	sdelay $0x2  }
0x91: {  	s4 =	simm.s32 $0xA;
	s5 =	simm.s32 $0x10;
	s15 =	sld [smem:$0x3FC9]  }
0x92: {  	[smem:s5], [sflag:s4] =	dma.local [hbm:s2], $0x1  }
0x93: {  	_ =	swait.eq [sflag:s4], $0x1  }
0x94: {  	[sflag:s4] =	ssyncset.done $0x0  }
0x95: {  	[sflag:s4] =	ssyncadd.s32 $0xFFFFFFFF  }
0x96: {  	s16 =	sld [smem:$0x11];
	(tm) =	ssettm $0x1  }
0x97: {  	s17 =	sld [smem:$0x3FFB];
	_ =	sdelay $0x3  }
0x98: {  	_ =	strace s17  }
0x99: {  	s4 =	sld [smem:$0x3FFC];
	_ =	sdelay $0x3  }
0x9a: {  	_ =	strace s4  }
0x9b: {  	s4 =	sld [smem:$0x3FFD];
	_ =	sdelay $0x3  }
0x9c: {  	_ =	strace s4  }
0x9d: {  	_ =	strace $0x8FFFFFFF  }
0x9e: {  	s18 =	sld [smem:$0x3FDB];
	_ =	sdelay $0x1  }
0x9f: {  	s19 =	simm.s32 $_scs_section_size  }
0xa0: {  	s6 =	simm.s32 $_size__tile_overlayer_lowered;
	s7 =	simm.s32 $_tile_overlayer_lowered  }
0xa1: {  	s22 =	simm.s32 $0x1BFF;
	s21 =	sshll.u32 s7, $0x1;
	s4 =	sadd.s32 s19, s18  }
0xa2: {  	s8 =	simm.s32 $0x0;
	s20 =	sshll.u32 s6, $0x1;
	s6 =	sadd.s32 s21, s4  }
0xa3: {  	[timem:s8], [sflag:s22] =	dma.local [hbm:s6], s20  }
0xa4: {  	_ =	swait.ge [sflag:s22], s20  }
0xa5: {  	s5 =	ssub.s32 $0x0, s20;
	[sflag:s22] =	ssyncset.done $0x0  }
0xa6: {  	[sflag:s22] =	ssyncadd.s32 s5;
	_ =	sdelay $0x1  }
0xa7: {  	s23 =	simm.s32 $0x1B8B  }
0xa8: {  	_ =	swait.ge [sflag:s23], $0x1  }
0xa9: {  	[sflag:s23] =	ssyncset.done $0x0  }
0xaa: {  	s25 =	simm.s32 $0x1B8E;
	s24 =	sld [smem:$0x3FFE];
	[sflag:s23] =	ssyncadd.s32 $0xFFFFFFFF  }
0xab: {  	s26 =	simm.s32 $execute0_lowered;
	[smem:$0x3FD2] =	sst s25  }
0xac: {  	s6 =	sshll.u32 s26, $0x1;
	_ =	strace $0x80000046;
	[dreg:$0x1] =	wrdreg $0xFFFFFFFF  }
0xad: {  	s28 =	simm.s32 $_size_execute0_lowered;
	s4 =	sadd.s32 s4, s6;
	[dreg:$0x0] =	wrdreg $0x0  }
0xae: {  	s6 =	sshll.u32 s28, $0x1;
	[dreg:$0x2] =	wrdreg s4  }
0xaf: {  	[dreg:$0x3] =	wrdreg s6  }
0xb0: {  	[dreg:$0x4] =	wrdreg $0xC0  }
0xb1: {  	_ =	task [dreg:s8], $0x5FFFF  }
0xb2: {  	[dreg:$0x1] =	wrdreg $0xFFFFFFFF  }
0xb3: {  	[dreg:$0x0] =	wrdreg $0x60  }
0xb4: {  	[dreg:$0x2] =	wrdreg s15  }
0xb5: {  	[dreg:$0x3] =	wrdreg s16  }
0xb6: {  	[dreg:$0x4] =	wrdreg s24  }
0xb7: {  	[dreg:$0x5] =	wrdreg $0x9  }
0xb8: {  	_ =	task.clear_ibuf [dreg:s8], $0x6FFFF;
	_ =	strace $0x90000046  }
0xb9: {  	s29 =	simm.s32 $0x9;
	_ =	strace $0x80000048  }
0xba: {  	_ =	swait.ge [sflag:s29], $0x1  }
0xbb: {  	[sflag:s29] =	ssyncadd.s32 $0xFFFFFFFF  }
0xbc: {  	_ =	strace $0x90000048  }
0xbd: {  	_ =	sfence  }
0xbe: {  	s30 =	sld [smem:$0x0];
	_ =	sdelay $0x2  }
0xbf: {  	s31 =	sshll.u32 s1, $0xD;
	s1 =	sshrl.u32 s1, $0x2  }
0xc0: {  	s3 =	sand.u32 $0x4000, s31;
	s1 =	sadd.s32 s1, s30  }
0xc1: {  	s0 =	sor.u32 s3, s0;
	s1 =	sshll.u32 s1, $0x11  }
0xc2: {  	s0 =	sor.u32 s1, s0  }
0xc3: {  	s0 =	sadd.s32 $0x8F2B, s0  }
0xc4: {  	[sflag:s0] =	ssyncadd.remote.s32 $0x1  }
0xc5: {  	_ =	sfence.sel $0xFFFF  }
0xc6: {  	[dreg:$0x0] =	wrdreg $0xFFFFFFFF;
	(pc) =	sbr.abs _section_cstart, $3  }
0xc7: {  	[dreg:$0x1] =	wrdreg $0xFFFFFFFF  }
0xc8: {  	_ =	task.clear_ibuf [dreg:s8], $0x2FFFF;
	_ =	strace $0x9FFFFFFF  }
0xc9: {  	(tm) =	ssettm $0x7FFFFFFF  }
tec
execute0_lowered:
.L_overlay_start_1:
0x0: {  	(tag) =	ssettag $0x1  }
0x1: {  	s0 =	rddreg [dreg:$0x0]  }
0x2: {  	s1 =	rddreg [dreg:$0x1]  }
0x3: {  	s3 =	rddreg [dreg:$0x2];
	s2 =	simm.s32 $0x0;
	s4 =	srdreg.scid  }
0x4: {  	s6 =	stileid.u32;
	[smem:$0x7FF] =	sst s2  }
0x5: {  	s4 =	sand.u32 $0x1, s4;
	s5 =	sshll.u32 s6, $0x1;
	s3 =	sadd.s32 $0x800, s3  }
0x6: {  	s6 =	sshll.u32 s6, $0xF;
	s5 =	sor.u32 s4, s5;
	s4 =	ssub.s32 $0x2, s4  }
0x7: {  	s7 =	sshll.u32 s5, $0x8;
	s8 =	sshllo.u32 s5, $0x1;
	s5 =	sshll.u32 s5, $0x1  }
0x8: {  	_ =	strace $0x80000047;
	s10 =	sshrl.u32 s4, $0x1;
	s25 =	sadd.s32 s1, s5  }
0x9: {  	s7 =	sor.u32 s6, s7;
	s26 =	sadd.s32 s3, s5;
	[dreg:$0x7] =	wrdreg s25  }
0xa: {  	s9 =	sshll.u32 s8, $0x7;
	s29 =	sadd.s32 s1, s8;
	[dreg:$0x8] =	wrdreg s26  }
0xb: {  	s4 =	ssub.s32 s4, s10;
	s30 =	sadd.s32 s3, s8;
	[dreg:$0x9] =	wrdreg s29  }
0xc: {  	s7 =	sand.u32 $0x70300, s7;
	s6 =	sor.u32 s6, s9;
	[dreg:$0xa] =	wrdreg s30  }
.Ltmp0:
0xd: {  	s31 =	smax.u32 s4, $0x1;
	s7 =	sshrl.u32 s7, $0x3;
	(pc) =	sbr.rel .LBB2_1-.Ltmp0, $4  }
0xe: {  	s6 =	sand.u32 $0x70380, s6;
	[dreg:$0xb] =	wrdreg s31;
	s7 =	sadd.s32 s0, s7  }
0xf: {  	s6 =	sshrl.u32 s6, $0x3;
	[dreg:$0x4] =	wrdreg s7;
	s7 =	sadd.s32 $0x1000, s7  }
0x10: {  	s0 =	sadd.s32 s0, s6;
	[dreg:$0x5] =	wrdreg s7  }
0x11: {  	s18 =	simm.s32 $0x4080;
	v0 =	vimm.f32 $-Inf;
	vm0 =	vmmov $0xff;
	v1 =	vlaneseq.u32;
	s28 =	simm.s32 $0x0;
	[dreg:$0x6] =	wrdreg s0  }
.LBB2_14:
0x12: {  	s0 =	rddreg [dreg:$0x7];
	s1 =	simm.s32 $0x6100  }
0x13: {  	[hbm4b:s0+s2] =	stream.linear.scatter [tilespmem:s1], [sflag:$0x4], $0x8, $0x38;
	[tilespmem:$0x6200] =	vst v63  }
0x14: {  	s19 =	rddreg [dreg:$0x8];
	s20 =	simm.s32 $0x6180  }
0x15: {  	[hbm4b:s19+s2] =	stream.linear.scatter [tilespmem:s20], [sflag:$0x5], $0x8, $0x38;
	[tilespmem:$0x6200] =	vst v63  }
0x16: {  	s21 =	rddreg [dreg:$0x9];
	s22 =	simm.s32 $0x6110  }
0x17: {  	[hbm4b:s21+s2] =	stream.linear.scatter [tilespmem:s22], [sflag:$0x6], $0x8, $0x38;
	[tilespmem:$0x6200] =	vst v63  }
0x18: {  	s23 =	rddreg [dreg:$0xa];
	s24 =	simm.s32 $0x6190;
	s25 =	simm.s32 $0x4  }
0x19: {  	[hbm4b:s23+s2] =	stream.linear.scatter [tilespmem:s24], [sflag:$0x7], $0x8, $0x38;
	[tilespmem:$0x6200] =	vst v63  }
0x1a: {  	_ =	swait.ge [sflag:s25], $0x8  }
0x1b: {  	[sflag:s25] =	ssyncset.done $0x0  }
0x1c: {  	s26 =	simm.s32 $0x5;
	[sflag:s25] =	ssyncadd.s32 $0xFFFFFFF8  }
0x1d: {  	_ =	swait.ge [sflag:s26], $0x8  }
0x1e: {  	[sflag:s26] =	ssyncset.done $0x0  }
0x1f: {  	s29 =	simm.s32 $0x6;
	[sflag:s26] =	ssyncadd.s32 $0xFFFFFFF8  }
0x20: {  	_ =	swait.ge [sflag:s29], $0x8  }
0x21: {  	[sflag:s29] =	ssyncset.done $0x0  }
0x22: {  	s30 =	simm.s32 $0x7;
	[sflag:s29] =	ssyncadd.s32 $0xFFFFFFF8  }
0x23: {  	_ =	swait.ge [sflag:s30], $0x8  }
0x24: {  	s28 =	sadd.s32 $0x1, s28;
	s31 =	rddreg [dreg:$0xb]  }
0x25: {  	p0 =	sne.s32 s28, s31  }
.Ltmp1:
0x26: {  	_ = 	snop;
	(pc) =	sbr.rel @!p0 .LBB2_15-.Ltmp1, $3  }
0x27: {  	_ =	sdelay $0x1  }
0x28: {  	[sflag:s30] =	ssyncset.done $0x0  }
0x29: {  	[sflag:s30] =	ssyncadd.s32 $0xFFFFFFF8  }
.LBB2_1:
0x2a: {  	s0 =	rddreg [dreg:$0x4];
	s1 =	simm.s32 $0x80;
	s3 =	simm.s32 $0x400  }
0x2b: {  	[tilespmem:s2], [sflag:$0x1] =	stream.strided.gather [hbm4b:s0+s1], $0x1000, s3, s1, $0x38;
	[tilespmem:$0x6200] =	vst v63  }
0x2c: {  	s23 =	rddreg [dreg:$0x5];
	s4 =	simm.s32 $0x1000  }
0x2d: {  	[tilespmem:s4], [sflag:$0x2] =	stream.strided.gather [hbm4b:s23+s1], $0x1000, s3, s1, $0x38;
	[tilespmem:$0x6200] =	vst v63  }
0x2e: {  	s24 =	rddreg [dreg:$0x6];
	s25 =	simm.s32 $0x2000;
	s26 =	simm.s32 $0x1  }
0x2f: {  	[tilespmem:s25], [sflag:$0x3] =	stream.strided.gather [hbm4b:s24+s1], $0x2000, s3, s1, $0x38;
	[tilespmem:$0x6200] =	vst v63  }
0x30: {  	_ =	swait.ge [sflag:s26], $0x1000  }
0x31: {  	[sflag:s26] =	ssyncset.done $0x0  }
0x32: {  	s30 =	simm.s32 $0x2;
	[sflag:s26] =	ssyncadd.s32 $0xFFFFF000  }
0x33: {  	_ =	swait.ge [sflag:s30], $0x1000  }
0x34: {  	[sflag:s30] =	ssyncset.done $0x0  }
.Ltmp2:
0x35: {  	s31 =	simm.s32 $0x3;
	[sflag:s30] =	ssyncadd.s32 $0xFFFFF000;
	(pc) =	sbr.rel .LBB2_2-.Ltmp2, $4  }
0x36: {  	_ =	swait.ge [sflag:s31], $0x2000  }
0x37: {  	[sflag:s31] =	ssyncset.done $0x0  }
0x38: {  	[sflag:s31] =	ssyncadd.s32 $0xFFFFE000  }
0x39: {  	p1 =	por $0x1, $0x1;
	s29 =	simm.s32 $0x0;
	[tilespmem:$0x4000] =	vst v0  }
.LBB2_8:
0x3a: {  	s4 =	simm.s32 $0x0  }
.LBB2_12:
0x3b: {  	s3 =	sadd.s32 @p1 $0x10, s4  }
0x3c: {  	s1 =	smov.u32 @p1 s3  }
0x3d: {  	v7 =	vor.u32 s1, v1  }
0x3e: {  	v8 =	vadd.s32 v3, v6;
	vm1 =	vlt.s32 v7, v16  }
0x3f: {  	v8 =	vnsel vm1, $0x4000, v8;
	_ =	sdelay $0x4  }
0x40: {  	v8 =	vld.idx.msk [tilespmem:v8+s2+$0x0], $0xffff;
	_ =	sdelay $0x1  }
0x41: {  	v9, v10, _ =	vpop @p1 (xrf1)  }
0x42: {  	v11, v12, _ =	vpop @p1 (xrf1)  }
0x43: {  	v6 =	vnsel vm1, $0x4000, v6;
	vm1 =	vge.f32 @p1 v11, v9  }
0x44: {  	(xrf1) =	vsort.ascd.msk.f32 $0xffff, v8, v6;
	v6 =	vsel @p1 vm1, v11, v9;
	v8 =	vsel @p1 vm1, v12, v10  }
0x45: {  	(xrf1) =	vsort.dscd.msk.f32 @p1 $0xffff, v6, v8  }
0x46: {  	v6 =	vld [tilespmem:s0+$0xFFFFF7F0];
	_ =	sdelay $0x4  }
0x47: {  	vm1 =	vlt.s32 v7, v15;
	v59 =	vadd.s32 v3, v6  }
0x48: {  	v8 =	vnsel vm1, $0x4000, v59;
	_ =	sdelay $0x4  }
0x49: {  	v8 =	vld.idx.msk [tilespmem:v8+s2+$0x0], $0xffff  }
0x4a: {  	v60, v61, _ =	vpop (xrf1)  }
0x4b: {  	v11, v12, _ =	vpop @p1 (xrf1)  }
0x4c: {  	v5 =	vpsel p1, v11, v5  }
0x4d: {  	v6 =	vnsel vm1, $0x4000, v6;
	v4 =	vpsel p1, v12, v4;
	vm2 =	vge.f32 v5, v60  }
0x4e: {  	(xrf1) =	vsort.ascd.msk.f32 $0xffff, v8, v6;
	v5 =	vsel vm2, v5, v60;
	v4 =	vsel vm2, v4, v61  }
0x4f: {  	v6 =	vld [tilespmem:s0+$0x0];
	(xrf1) =	vsort.dscd.msk.f32 $0xffff, v5, v4;
	_ =	sdelay $0x4  }
0x50: {  	vm1 =	vlt.s32 v7, v14;
	v4 =	vadd.s32 v3, v6  }
0x51: {  	v4 =	vnsel vm1, $0x4000, v4;
	_ =	sdelay $0x4  }
0x52: {  	v4 =	vld.idx.msk [tilespmem:v4+s2+$0x0], $0xffff;
	_ =	sdelay $0x1  }
0x53: {  	v5, v8, _ =	vpop (xrf1)  }
0x54: {  	v62, v63, _ =	vpop (xrf1)  }
0x55: {  	v6 =	vnsel vm1, $0x4000, v6;
	vm2 =	vge.f32 v62, v5  }
0x56: {  	(xrf1) =	vsort.ascd.msk.f32 $0xffff, v4, v6;
	v5 =	vsel vm2, v62, v5;
	v8 =	vsel vm2, v63, v8  }
0x57: {  	v4 =	vld [tilespmem:s0+$0x810];
	(xrf1) =	vsort.dscd.msk.f32 $0xffff, v5, v8;
	_ =	sdelay $0x4  }
0x58: {  	vm1 =	vlt.s32 v7, v2;
	v2 =	vadd.s32 v3, v4  }
0x59: {  	v2 =	vnsel vm1, $0x4000, v2;
	_ =	sdelay $0x4  }
0x5a: {  	v2 =	vld.idx.msk [tilespmem:v2+s2+$0x0], $0xffff;
	_ =	sdelay $0x1  }
0x5b: {  	v3, v5, _ =	vpop (xrf1)  }
0x5c: {  	v6, v7, _ =	vpop (xrf1)  }
0x5d: {  	v4 =	vnsel vm1, $0x4000, v4;
	vm2 =	vge.f32 v6, v3  }
0x5e: {  	(xrf1) =	vsort.ascd.msk.f32 $0xffff, v2, v4;
	v3 =	vsel vm2, v6, v3;
	v5 =	vsel vm2, v7, v5  }
0x5f: {  	(xrf1) =	vsort.dscd.msk.f32 $0xffff, v3, v5;
	_ =	sdelay $0xc  }
0x60: {  	v2, v3, _ =	vpop (xrf1)  }
0x61: {  	v4, v5, _ =	vpop (xrf1)  }
0x62: {  	vm1 =	vge.f32 v4, v2  }
0x63: {  	v2 =	vsel vm1, v4, v2;
	v3 =	vsel vm1, v5, v3  }
0x64: {  	(xrf1) =	vsort.dscd.msk.f32 $0xffff, v2, v3;
	_ =	sdelay $0xd  }
0x65: {  	v5, v4, _ =	vpop (xrf1)  }
.LBB2_13:
.Ltmp3:
0x66: {  	(pc) =	sbr.rel @!p0 .LBB2_14-.Ltmp3, $4  }
0x67: {  	_ = 	snop  }
0x68: {  	s0 =	sshll.u32 s29, $0x4  }
0x69: {  	[tilespmem:s0+$0x6100] =	vst v5  }
0x6a: {  	s29 =	simm.s32 $0x1;
	p1 =	por $0x0, $0x0;
	[tilespmem:s0+$0x6180] =	vst v4  }
.LBB2_2:
0x6b: {  	s30 =	sshll.u32 s29, $0xD  }
0x6c: {  	s0 =	sand.u32 $0x3FFFE000, s30  }
0x6d: {  	s0 =	sor.u32 $0x80, s0  }
0x6e: {  	v2 =	vmov s0;
	_ =	sdelay $0x3  }
0x6f: {  	s3 =	simm.s32 $0x0  }
0x70: {  	v3 =	vld.idx.msk [tilespmem:v2+s3+$0x60 ss:$0x1], $0xffff  }
0x71: {  	v4 =	vld.idx.msk [tilespmem:v2+s3+$0xFFFFFF80 ss:$0x1], $0xffff  }
0x72: {  	v6 =	vld.idx.msk [tilespmem:v2+s3+$0xFFFFFFA0 ss:$0x1], $0xffff  }
0x73: {  	v7 =	vld.idx.msk [tilespmem:v2+s3+$0xFFFFFFC0 ss:$0x1], $0xffff  }
0x74: {  	v8 =	vld.idx.msk [tilespmem:v2+s3+$0xFFFFFFE0 ss:$0x1], $0xffff  }
0x75: {  	v5 =	vimm.f32 $-Inf;
	v12 =	vimm.f32 $-Inf;
	v9 =	vld.idx.msk [tilespmem:v2+s3+$0x0 ss:$0x1], $0xffff  }
0x76: {  	v10 =	vimm.f32 $-Inf;
	v13 =	vimm.f32 $-Inf;
	v14 =	vimm.f32 $-Inf;
	v11 =	vld.idx.msk [tilespmem:v2+s3+$0x20 ss:$0x1], $0xffff  }
0x77: {  	p0 =	por p1, p1;
	s1 =	simm.s32 $0x800;
	v15 =	vimm.f32 $-Inf;
	s0 =	simm.s32 $0x100;
	v16 =	vld.idx.msk [tilespmem:v2+s3+$0x40 ss:$0x1], $0xffff;
	v3 =	vmax.f32 v5, v3;
	v4 =	vmax.f32 v5, v4  }
.LBB2_3:
0x78: {  	p1 =	sne.s32 s1, $0x7C00;
	v17 =	vld.idx.msk [tilespmem:v2+s0+$0x60 ss:$0x1], $0xffff;
	v5 =	vmax.f32 v5, v6  }
0x79: {  	v12 =	vmax.f32 v12, v7;
	v18 =	vld.idx.msk [tilespmem:v2+s0+$0xFFFFFF80 ss:$0x1], $0xffff  }
0x7a: {  	v10 =	vmax.f32 v10, v8;
	v6 =	vld.idx.msk [tilespmem:v2+s0+$0xFFFFFFA0 ss:$0x1], $0xffff  }
.Ltmp4:
0x7b: {  	v13 =	vmax.f32 v13, v9;
	v7 =	vld.idx.msk [tilespmem:v2+s0+$0xFFFFFFC0 ss:$0x1], $0xffff;
	(pc) =	sbr.rel @p1 .LBB2_3-.Ltmp4, $4  }
0x7c: {  	v14 =	vmax.f32 v14, v11;
	v8 =	vld.idx.msk [tilespmem:v2+s0+$0xFFFFFFE0 ss:$0x1], $0xffff  }
0x7d: {  	v15 =	vmax.f32 v15, v16;
	v9 =	vld.idx.msk [tilespmem:v2+s0+$0x0 ss:$0x1], $0xffff  }
0x7e: {  	v3 =	vmax.f32 v3, v17;
	v11 =	vld.idx.msk [tilespmem:v2+s0+$0x20 ss:$0x1], $0xffff  }
0x7f: {  	v4 =	vmax.f32 v4, v18;
	v16 =	vld.idx.msk [tilespmem:v2+s0+$0x40 ss:$0x1], $0xffff;
	s0 =	sshra.s32 s1, $0x2;
	s1 =	sadd.s32 $0x400, s1  }
0x80: {  	_ =	sdelay $0x3  }
0x81: {  	v17 =	vld.idx.msk [tilespmem:v2+s0+$0x60 ss:$0x1], $0xffff  }
0x82: {  	v18 =	vld.idx.msk [tilespmem:v2+s0+$0xFFFFFF80 ss:$0x1], $0xffff  }
0x83: {  	v19 =	vld.idx.msk [tilespmem:v2+s0+$0xFFFFFFA0 ss:$0x1], $0xffff  }
0x84: {  	v20 =	vld.idx.msk [tilespmem:v2+s0+$0xFFFFFFC0 ss:$0x1], $0xffff  }
0x85: {  	v21 =	vld.idx.msk [tilespmem:v2+s0+$0xFFFFFFE0 ss:$0x1], $0xffff  }
0x86: {  	v22 =	vld.idx.msk [tilespmem:v2+s0+$0x0 ss:$0x1], $0xffff  }
0x87: {  	v23 =	vld.idx.msk [tilespmem:v2+s0+$0x20 ss:$0x1], $0xffff  }
0x88: {  	v2 =	vld.idx.msk [tilespmem:v2+s0+$0x40 ss:$0x1], $0xffff  }
0x89: {  	v5 =	vmax.f32 v5, v6;
	v6 =	vmax.f32 v12, v7  }
0x8a: {  	v7 =	vmax.f32 v10, v8;
	v8 =	vmax.f32 v13, v9;
	v9 =	vmax.f32 v14, v11  }
0x8b: {  	v10 =	vmax.f32 v15, v16;
	v3 =	vmax.f32 v3, v17;
	v4 =	vmax.f32 v4, v18  }
0x8c: {  	v5 =	vmax.f32 v5, v19;
	v6 =	vmax.f32 v6, v20;
	v7 =	vmax.f32 v7, v21  }
0x8d: {  	v8 =	vmax.f32 v8, v22;
	v2 =	vmax.f32 v10, v2;
	v4 =	vmax.f32 v4, v5  }
0x8e: {  	v5 =	vmax.f32 v6, v7;
	v6 =	vmax.f32 v9, v23;
	v2 =	vmax.f32 v2, v3  }
0x8f: {  	v4 =	vmax.f32 v4, v5;
	v5 =	vmax.f32 v8, v6;
	v6 =	vlaneseq.u32  }
0x90: {  	v2 =	vmax.f32 v5, v2;
	(xrf1) =	vsort.dscd.msk.f32 $0xffff, v4, v6  }
0x91: {  	(xrf1) =	vsort.ascd.msk.f32 $0xffff, v2, v6;
	_ =	sdelay $0xc  }
0x92: {  	v2, _, _ =	vpop (xrf1)  }
0x93: {  	v3, _, _ =	vpop (xrf1)  }
0x94: {  	v2 =	vmax.f32 v2, v3  }
0x95: {  	(xrf1) =	vsort.dscd.msk.f32 $0xffff, v2, v6;
	_ =	sdelay $0xd  }
0x96: {  	v2, _, _ =	vpop (xrf1)  }
0x97: {  	v2 =	vnsel vm0, $0x7F800000, v2  }
0x98: {  	s15 =	simm.s32 $0x0;
	(xrf0) =	vmin.scan.msk.f32 $0xffff, v2  }
0x99: {  	s6 =	sand.u32 $0x780, s15  }
0x9a: {  	s3 =	sand.u32 $0x60, s15;
	s16 =	sadd.s32 s6, s30  }
0x9b: {  	s4 =	sor.u32 $0x10, s3;
	s1 =	sadd.s32 s3, s16  }
0x9c: {  	s0 =	sadd.s32 s4, s16;
	v3 =	vld [tilespmem:s1+$0x0]  }
0x9d: {  	v4 =	vld [tilespmem:s0+$0x0]  }
0x9e: {  	v2, _, _ =	vpop (xrf0)  }
0x9f: {  	v2 =	vbroadcast v2, $0xF;
	_ =	sdelay $0x1  }
0xa0: {  	s17 =	simm.s32 $0x20;
	vm1 =	vge.f32 v3, v2  }
0xa1: {  	s11 =	sand.u32 $0x780, s17;
	vm2 =	vge.f32 v4, v2;
	v3 =	vadd.s32 $0x10, v6  }
0xa2: {  	s7 =	sand.u32 $0x60, s17;
	s19 =	sadd.s32 s11, s30;
	v4 =	vsel vm1, v3, v6  }
0xa3: {  	s20 =	sadd.s32 s7, s19  }
0xa4: {  	s31 =	sadd.s32 $0x800, s30;
	s5 =	sor.u32 $0x10, s7;
	v5 =	vld [tilespmem:s20+$0x0]  }
0xa5: {  	s21 =	sadd.s32 s6, s31;
	s0 =	sadd.s32 s5, s19  }
0xa6: {  	s8 =	sadd.s32 s3, s21;
	v7 =	vld [tilespmem:s0+$0x0];
	[tilespmem:v6+s18+$0x0] =	vst.idx.msk vm1, v6  }
0xa7: {  	s22 =	sadd.s32 s4, s21;
	[tilespmem:v4+s18+$0x0] =	vst.idx.msk vm2, v3;
	v8 =	vld [tilespmem:s8+$0x0]  }
0xa8: {  	v3 =	vld [tilespmem:s22+$0x0]  }
0xa9: {  	vm3 =	vge.f32 v5, v2;
	v9 =	vadd.s32 $0x10, v4  }
0xaa: {  	s23 =	simm.s32 $0x40;
	v4 =	vsel vm2, v9, v4  }
0xab: {  	s9 =	sand.u32 $0x780, s23;
	vm1 =	vge.f32 v7, v2;
	v5 =	vadd.s32 $0x10, v4  }
0xac: {  	s24 =	sadd.s32 s9, s30;
	v7 =	vor.u32 $0x810, v6;
	s8 =	sand.u32 $0x60, s23;
	v9 =	vsel vm3, v5, v4;
	vm4 =	vge.f32 v8, v2  }
0xad: {  	s0 =	sadd.s32 s8, s24;
	v5 =	vadd.s32 $0x10, v7;
	s10 =	sor.u32 $0x10, s8;
	vm2 =	vge.f32 v3, v2  }
0xae: {  	s12 =	sadd.s32 s11, s31;
	v12 =	vadd.s32 $0x20, v6;
	s1 =	sadd.s32 s10, s24;
	v8 =	vld [tilespmem:s0+$0x0];
	v10 =	vsel vm4, v5, v7  }
0xaf: {  	s13 =	sadd.s32 s7, s12;
	v13 =	vor.u32 $0x1020, v6;
	v17 =	vld [tilespmem:s1+$0x0];
	[tilespmem:v4+s18+$0x0] =	vst.idx.msk vm3, v12  }
0xb0: {  	v15 =	vor.u32 $0x800, v6;
	v16 =	vor.u32 $0x1000, v6;
	s0 =	sadd.s32 $0x1000, s30;
	v14 =	vld [tilespmem:s13+$0x0];
	v5 =	vadd.s32 $0x10, v12  }
0xb1: {  	s12 =	sadd.s32 s5, s12;
	v18 =	vadd.s32 $0x10, v15;
	v20 =	vadd.s32 $0x10, v9;
	v4 =	vor.u32 $0x1800, v6;
	s25 =	sadd.s32 s6, s0;
	[tilespmem:v9+s18+$0x0] =	vst.idx.msk vm1, v5  }
0xb2: {  	v20 =	vsel vm1, v20, v9;
	v3 =	vor.u32 $0x1830, v6;
	v11 =	vadd.s32 $0x20, v4;
	s26 =	sadd.s32 s3, s25;
	v19 =	vld [tilespmem:s12+$0x0];
	[tilespmem:v7+s18+$0x0] =	vst.idx.msk vm4, v15  }
0xb3: {  	s14 =	simm.s32 $0x60;
	v6 =	vadd.s32 $0x10, v4;
	v30 =	vadd.s32 $0x10, v3;
	s13 =	sadd.s32 s4, s25;
	vm3 =	vge.f32 v8, v2;
	[tilespmem:v10+s18+$0x0] =	vst.idx.msk vm2, v18;
	v21 =	vld [tilespmem:s26+$0x0]  }
0xb4: {  	s20 =	sand.u32 $0x780, s14;
	v5 =	vadd.s32 $0x10, v11;
	v9 =	vadd.s32 $0x10, v20;
	vm1 =	vge.f32 v17, v2;
	v22 =	vld [tilespmem:s13+$0x0]  }
0xb5: {  	s15 =	sadd.s32 s20, s30;
	s12 =	sand.u32 $0x60, s14;
	vm5 =	vge.f32 v14, v2;
	v7 =	vadd.s32 $0x20, v11;
	v18 =	vadd.s32 $0x10, v10  }
0xb6: {  	s19 =	sor.u32 $0x10, s12;
	s1 =	sadd.s32 s12, s15;
	v14 =	vsel vm3, v9, v20;
	v8 =	vadd.s32 $0x10, v7;
	v18 =	vsel vm2, v18, v10  }
0xb7: {  	s16 =	sadd.s32 s19, s15;
	v23 =	vadd.s32 $0x10, v18;
	vm4 =	vge.f32 v19, v2;
	v19 =	vadd.s32 $0x20, v12;
	v12 =	vld [tilespmem:s1+$0x0]  }
0xb8: {  	s17 =	sadd.s32 s9, s31;
	v17 =	vld [tilespmem:s16+$0x0];
	v10 =	vadd.s32 $0x20, v7;
	vm2 =	vge.f32 v21, v2;
	v21 =	vsel vm5, v23, v18  }
0xb9: {  	s22 =	sadd.s32 s8, s17;
	v26 =	vadd.s32 $0x10, v14;
	[tilespmem:v20+s18+$0x0] =	vst.idx.msk vm3, v19;
	v20 =	vadd.s32 $0x10, v13;
	vm3 =	vge.f32 v22, v2  }
0xba: {  	s23 =	simm.s32 $0x80;
	s14 =	sadd.s32 s11, s0;
	v9 =	vadd.s32 $0x10, v10;
	v22 =	vadd.s32 $0x20, v15;
	v24 =	vld [tilespmem:s22+$0x0];
	v20 =	vsel vm2, v20, v13  }
0xbb: {  	s21 =	sadd.s32 s7, s14;
	s14 =	sadd.s32 s5, s14;
	s1 =	sadd.s32 $0x1800, s30;
	v26 =	vsel vm1, v26, v14;
	v23 =	vadd.s32 $0x10, v16;
	v15 =	vadd.s32 $0x10, v19;
	[tilespmem:v18+s18+$0x0] =	vst.idx.msk vm5, v22  }
0xbc: {  	s13 =	sadd.s32 s10, s17;
	s6 =	sadd.s32 s6, s1;
	s11 =	sadd.s32 s11, s1;
	v25 =	vadd.s32 $0x10, v22;
	v18 =	vadd.s32 $0x10, v21;
	[tilespmem:v14+s18+$0x0] =	vst.idx.msk vm1, v15;
	vm1 =	vge.f32 v12, v2;
	v28 =	vld [tilespmem:s21+$0x0]  }
0xbd: {  	s3 =	sadd.s32 s3, s6;
	s4 =	sadd.s32 s4, s6;
	s7 =	sadd.s32 s7, s11;
	vm5 =	vge.f32 v17, v2;
	v12 =	vadd.s32 $0x10, v26;
	v14 =	vadd.s32 $0x20, v16;
	v17 =	vld [tilespmem:s13+$0x0];
	[tilespmem:v21+s18+$0x0] =	vst.idx.msk vm4, v25  }
0xbe: {  	s6 =	sadd.s32 s5, s11;
	s11 =	sand.u32 $0x780, s23;
	v18 =	vsel vm4, v18, v21;
	v27 =	vadd.s32 $0x10, v20;
	s21 =	sand.u32 $0x60, s23;
	v15 =	vadd.s32 $0x10, v14;
	v21 =	vld [tilespmem:s14+$0x0];
	[tilespmem:v13+s18+$0x0] =	vst.idx.msk vm2, v16  }
0xbf: {  	s25 =	sadd.s32 s11, s30;
	s22 =	sor.u32 $0x10, s21;
	v25 =	vsel vm1, v12, v26;
	v12 =	vadd.s32 $0x20, v10;
	vm2 =	vge.f32 v24, v2;
	[tilespmem:v20+s18+$0x0] =	vst.idx.msk vm3, v23;
	v24 =	vld [tilespmem:s3+$0x0]  }
0xc0: {  	v29 =	vsel vm3, v27, v20;
	s15 =	sadd.s32 s22, s25;
	v13 =	vadd.s32 $0x10, v12;
	v20 =	vadd.s32 $0x20, v19;
	v19 =	vld [tilespmem:s4+$0x0]  }
0xc1: {  	s24 =	sadd.s32 s9, s0;
	s16 =	sadd.s32 s20, s31;
	s5 =	sadd.s32 s21, s25;
	v31 =	vld [tilespmem:s15+$0x0];
	v16 =	vadd.s32 $0x20, v22;
	v23 =	vadd.s32 $0x10, v18;
	v22 =	vadd.s32 $0x10, v20  }
0xc2: {  	s17 =	sadd.s32 s12, s16;
	s16 =	sadd.s32 s19, s16;
	s26 =	sadd.s32 s9, s1;
	v27 =	vadd.s32 $0x10, v16;
	vm6 =	vge.f32 v17, v2;
	vm7 =	vge.f32 v28, v2;
	v17 =	vld [tilespmem:s5+$0x0];
	[tilespmem:v26+s18+$0x0] =	vst.idx.msk vm1, v20  }
0xc3: {  	s9 =	sadd.s32 s8, s24;
	s13 =	sadd.s32 s8, s26;
	s23 =	sadd.s32 s20, s0;
	v26 =	vadd.s32 $0x10, v25;
	v32 =	vsel vm2, v23, v18;
	v23 =	vadd.s32 $0x10, v29;
	v33 =	vld [tilespmem:s17+$0x0]  }
0xc4: {  	s25 =	sadd.s32 s11, s31;
	s15 =	sadd.s32 s10, s24;
	s24 =	sadd.s32 s20, s1;
	v23 =	vsel vm7, v23, v29;
	[tilespmem:v25+s18+$0x0] =	vst.idx.msk vm5, v22;
	vm4 =	vge.f32 v21, v2;
	v21 =	vadd.s32 $0x10, v32  }
0xc5: {  	s14 =	sadd.s32 s10, s26;
	s20 =	sadd.s32 s12, s24;
	s10 =	simm.s32 $0x8;
	v21 =	vsel vm6, v21, v32;
	vm3 =	vge.f32 v24, v2;
	vm1 =	vge.f32 v19, v2  }
0xc6: {  	s26 =	sadd.s32 s11, s0;
	s5 =	sadd.s32 s12, s23;
	s4 =	sadd.s32 s19, s23;
	[tilespmem:v18+s18+$0x0] =	vst.idx.msk vm2, v16;
	v24 =	vsel vm5, v26, v25;
	v19 =	vadd.s32 $0x10, v23;
	vm2 =	vge.f32 v31, v2  }
0xc7: {  	s19 =	sadd.s32 s19, s24;
	s3 =	sadd.s32 s21, s25;
	s8 =	sadd.s32 s21, s26;
	v28 =	vld [tilespmem:s16+$0x0];
	vm5 =	vge.f32 v17, v2;
	v18 =	vsel vm3, v30, v3;
	v22 =	vsel vm4, v19, v23  }
0xc8: {  	s12 =	simm.s32 $0xA0;
	s17 =	sadd.s32 s11, s1;
	s11 =	sadd.s32 s22, s25;
	v26 =	vld [tilespmem:s9+$0x0];
	v25 =	vadd.s32 $0x10, v24;
	[tilespmem:v32+s18+$0x0] =	vst.idx.msk vm6, v27;
	vm6 =	vge.f32 v33, v2;
	v19 =	vadd.s32 $0x10, v18  }
0xc9: {  	s21 =	sadd.s32 s21, s17;
	s9 =	sadd.s32 s22, s26;
	s22 =	sadd.s32 s22, s17;
	[tilespmem:v29+s18+$0x0] =	vst.idx.msk vm7, v14;
	v27 =	vld [tilespmem:s15+$0x0];
	v17 =	vsel vm1, v19, v18;
	v19 =	vsel vm5, v25, v24;
	v25 =	vadd.s32 $0x20, v12  }
.LBB2_5:
0xca: {  	s15 =	sand.u32 $0x780, s12;
	s16 =	sand.u32 $0x60, s12;
	v29 =	vadd.s32 $0x10, v25;
	s10 =	sadd.s32 $0x2, s10;
	v30 =	vld [tilespmem:s7+$0x0];
	[tilespmem:v23+s18+$0x0] =	vst.idx.msk vm4, v15;
	v14 =	vadd.s32 $0x20, v14;
	v31 =	vmovc v22;
	v32 =	vmovc v12;
	v12 =	vmov v25  }
0xcb: {  	v20 =	vadd.s32 $0x20, v20;
	v16 =	vadd.s32 $0x20, v16;
	s7 =	sadd.s32 s15, s30;
	s17 =	sadd.s32 s15, s31;
	s23 =	sor.u32 $0x10, s16;
	v15 =	vadd.s32 $0x10, v14;
	v33 =	vld [tilespmem:s6+$0x0];
	[tilespmem:v3+s18+$0x0] =	vst.idx.msk vm3, v4;
	v3 =	vmovc v17;
	v4 =	vmovc v11  }
0xcc: {  	v36 =	vadd.s32 $0x10, v17;
	v34 =	vadd.s32 $0x10, v20;
	v35 =	vadd.s32 $0x10, v16;
	s6 =	sadd.s32 s16, s7;
	s24 =	sadd.s32 s16, s17;
	s7 =	sadd.s32 s23, s7;
	[tilespmem:v18+s18+$0x0] =	vst.idx.msk vm1, v6;
	v6 =	vmovc v5;
	v5 =	vmovc v8  }
0xcd: {  	s25 =	sadd.s32 s15, s0;
	s15 =	sadd.s32 s15, s1;
	v11 =	vadd.s32 $0x10, v21;
	s17 =	sadd.s32 s23, s17;
	vm7 =	vge.f32 v26, v2;
	v8 =	vmovc v9;
	v9 =	vmovc v13;
	v37 =	vld [tilespmem:s7+$0x0];
	vm8 =	vge.f32 v28, v2  }
0xce: {  	s26 =	sadd.s32 s16, s25;
	v18 =	vadd.s32 $0x10, v19;
	v38 =	vsel vm6, v11, v21;
	v13 =	vmovc v29;
	v28 =	vld [tilespmem:s6+$0x0];
	s6 =	sadd.s32 s16, s15;
	s16 =	sadd.s32 s23, s25;
	[tilespmem:v24+s18+$0x0] =	vst.idx.msk vm5, v20;
	v24 =	vadd.s32 $0x10, v22  }
0xcf: {  	p1 =	slt.u32 s10, $0x7E;
	s15 =	sadd.s32 s23, s15;
	vm4 =	vge.f32 v27, v2;
	v29 =	vld [tilespmem:s3+$0x0];
	[tilespmem:v21+s18+$0x0] =	vst.idx.msk vm6, v16;
	v21 =	vadd.s32 $0x10, v38;
	v23 =	vsel vm7, v24, v22;
	s3 =	smov.u32 s24  }
.Ltmp5:
0xd0: {  	s7 =	smov.u32 s13;
	s13 =	smov.u32 s20;
	v11 =	vmovc v7;
	vm3 =	vge.f32 v30, v2;
	v21 =	vsel vm8, v21, v38;
	vm1 =	vge.f32 v33, v2;
	(pc) =	sbr.rel @p1 .LBB2_5-.Ltmp5, $4  }
0xd1: {  	s20 =	smov.u32 s21;
	v7 =	vmovc v10;
	v10 =	vmovc v32;
	v24 =	vsel vm2, v18, v19;
	s21 =	smov.u32 s6;
	s6 =	smov.u32 s14;
	v22 =	vadd.s32 $0x10, v23;
	v18 =	vsel vm3, v36, v17  }
0xd2: {  	s14 =	smov.u32 s19;
	v22 =	vsel vm4, v22, v23;
	v17 =	vadd.s32 $0x10, v18;
	[tilespmem:v19+s18+$0x0] =	vst.idx.msk vm2, v34;
	vm2 =	vge.f32 v37, v2;
	v26 =	vld [tilespmem:s5+$0x0];
	s5 =	smov.u32 s8;
	s8 =	smov.u32 s26  }
0xd3: {  	s19 =	smov.u32 s22;
	s22 =	smov.u32 s15;
	v19 =	vadd.s32 $0x10, v24;
	v17 =	vsel vm1, v17, v18;
	vm5 =	vge.f32 v28, v2;
	v28 =	vld [tilespmem:s11+$0x0];
	[tilespmem:v38+s18+$0x0] =	vst.idx.msk vm8, v35;
	s11 =	smov.u32 s17  }
0xd4: {  	v25 =	vadd.s32 $0x20, v25;
	s12 =	sadd.s32 $0x20, s12;
	v19 =	vsel vm5, v19, v24;
	vm6 =	vge.f32 v29, v2;
	v27 =	vld [tilespmem:s4+$0x0];
	[tilespmem:v31+s18+$0x0] =	vst.idx.msk vm7, v14;
	s4 =	smov.u32 s9;
	s9 =	smov.u32 s16  }
0xd5: {  	_ =	sdelay $0x3  }
0xd6: {  	v20 =	vadd.s32 $0x20, v20  }
0xd7: {  	[tilespmem:v24+s18+$0x0] =	vst.idx.msk vm5, v20  }
0xd8: {  	v20 =	vadd.s32 $0x10, v20;
	v24 =	vld [tilespmem:s3+$0x0]  }
0xd9: {  	[tilespmem:v19+s18+$0x0] =	vst.idx.msk vm2, v20  }
0xda: {  	v20 =	vld [tilespmem:s11+$0x0]  }
0xdb: {  	v25 =	vadd.s32 $0x10, v21;
	vm7 =	vge.f32 v28, v2  }
0xdc: {  	v25 =	vsel vm6, v25, v21  }
0xdd: {  	v37 =	vadd.s32 $0x10, v25;
	vm8 =	vge.f32 v24, v2  }
0xde: {  	v16 =	vadd.s32 $0x20, v16;
	v38 =	vsel vm7, v37, v25  }
0xdf: {  	[tilespmem:v21+s18+$0x0] =	vst.idx.msk vm6, v16;
	v39 =	vadd.s32 $0x10, v38;
	vm5 =	vge.f32 v20, v2  }
0xe0: {  	v40 =	vadd.s32 $0x10, v16;
	v41 =	vld [tilespmem:s5+$0x0];
	v21 =	vsel vm8, v39, v38  }
0xe1: {  	v29 =	vld [tilespmem:s7+$0x0];
	vm13 =	vge.f32 v26, v2;
	[tilespmem:v25+s18+$0x0] =	vst.idx.msk vm7, v40  }
0xe2: {  	[tilespmem:v23+s18+$0x0] =	vst.idx.msk vm4, v15;
	v16 =	vadd.s32 $0x20, v16;
	v15 =	vld [tilespmem:s4+$0x0]  }
0xe3: {  	v43 =	vadd.s32 $0x10, v22;
	v42 =	vld [tilespmem:s6+$0x0];
	vm14 =	vge.f32 v27, v2;
	[tilespmem:v38+s18+$0x0] =	vst.idx.msk vm8, v16  }
0xe4: {  	v23 =	vsel vm13, v43, v22;
	v16 =	vadd.s32 $0x10, v16;
	v24 =	vld [tilespmem:s8+$0x0]  }
0xe5: {  	v44 =	vadd.s32 $0x10, v23;
	vm15 =	vge.f32 v41, v2;
	[tilespmem:v21+s18+$0x0] =	vst.idx.msk vm5, v16  }
0xe6: {  	v14 =	vadd.s32 $0x20, v14;
	v16 =	vsel vm14, v44, v23;
	v45 =	vld [tilespmem:s9+$0x0]  }
0xe7: {  	v46 =	vadd.s32 $0x10, v14;
	[tilespmem:v22+s18+$0x0] =	vst.idx.msk vm13, v14;
	v47 =	vadd.s32 $0x10, v16;
	vm9 =	vge.f32 v15, v2  }
0xe8: {  	vm6 =	vge.f32 v29, v2;
	vm4 =	vge.f32 v42, v2;
	v48 =	vld [tilespmem:s13+$0x0];
	v22 =	vsel vm15, v47, v16  }
0xe9: {  	[tilespmem:v23+s18+$0x0] =	vst.idx.msk vm14, v46;
	v15 =	vadd.s32 $0x10, v17;
	v49 =	vadd.s32 $0x10, v22;
	vm10 =	vge.f32 v24, v2  }
0xea: {  	v14 =	vadd.s32 $0x20, v14;
	v50 =	vsel vm6, v15, v17;
	v15 =	vld [tilespmem:s14+$0x0];
	v20 =	vsel vm9, v49, v22  }
0xeb: {  	v51 =	vadd.s32 $0x10, v50;
	[tilespmem:v16+s18+$0x0] =	vst.idx.msk vm15, v14;
	v16 =	vadd.s32 $0x10, v20;
	vm12 =	vge.f32 v45, v2  }
0xec: {  	v52 =	vadd.s32 $0x10, v14;
	v24 =	vsel vm4, v51, v50;
	v53 =	vld [tilespmem:s20+$0x0];
	v54 =	vsel vm10, v16, v20  }
0xed: {  	vm7 =	vge.f32 v48, v2;
	v16 =	vadd.s32 $0x10, v24;
	[tilespmem:v22+s18+$0x0] =	vst.idx.msk vm9, v52  }
0xee: {  	v14 =	vadd.s32 $0x20, v14;
	v55 =	vsel vm7, v16, v24;
	v16 =	vld [tilespmem:s19+$0x0]  }
0xef: {  	vm8 =	vge.f32 v15, v2;
	v15 =	vadd.s32 $0x10, v55;
	[tilespmem:v20+s18+$0x0] =	vst.idx.msk vm10, v14  }
0xf0: {  	v56 =	vsel vm8, v15, v55;
	v14 =	vadd.s32 $0x10, v14;
	v15 =	vld [tilespmem:s21+$0x0]  }
0xf1: {  	v57 =	vadd.s32 $0x10, v56;
	vm9 =	vge.f32 v53, v2;
	[tilespmem:v54+s18+$0x0] =	vst.idx.msk vm12, v14  }
0xf2: {  	v25 =	vsel vm9, v57, v56;
	v14 =	vld [tilespmem:s22+$0x0]  }
0xf3: {  	vm10 =	vge.f32 v16, v2;
	v16 =	vadd.s32 $0x10, v25  }
0xf4: {  	v58 =	vsel vm10, v16, v25  }
0xf5: {  	v16 =	vadd.s32 $0x10, v19;
	v59 =	vadd.s32 $0x10, v58;
	vm11 =	vge.f32 v15, v2  }
0xf6: {  	v60 =	vadd.s32 $0x10, v54;
	v16 =	vsel vm2, v16, v19;
	v19 =	vsel vm11, v59, v58  }
0xf7: {  	v15 =	vadd.s32 $0x10, v21;
	vm2 =	vge.f32 v14, v2;
	v2 =	vadd.s32 $0x10, v19  }
0xf8: {  	v61 =	vsel vm12, v60, v54;
	v14 =	vsel vm5, v15, v21;
	v2 =	vsel vm2, v2, v19  }
0xf9: {  	v15 =	vadd.s32 $0xFFFFF7F0, v14;
	v14 =	vadd.s32 $0xFFFFEFE0, v61;
	v2 =	vadd.s32 $0xFFFFE7D0, v2  }
0xfa: {  	vm5 =	vgt.s32 v16, v15;
	vm12 =	vgt.s32 v14, v2  }
0xfb: {  	v62 =	vsel vm5, v16, v15;
	v63 =	vsel vm12, v14, v2  }
0xfc: {  	vm5 =	vgt.s32 v62, v63  }
0xfd: {  	v21 =	vsel vm5, v62, v63  }
0xfe: {  	v21 =	vxor.u32 $0x80000000, v21  }
0xff: {  	(xrf0) =	vmax.scan.msk.u32 $0xffff, v21;
	_ =	sdelay $0x5  }
0x100: {  	v21, _, _ =	vpop (xrf0)  }
0x101: {  	(v2sf) =	vpush v21, $0xF;
	_ =	sdelay $0xe  }
0x102: {  	s0 =	spop (v2sf)  }
0x103: {  	s1 =	sxor.u32 $0x80000000, s0  }
0x104: {  	p2 =	sgt.s32 s0, $0xFFFFFFFF;
	s0 =	sand.u32 $0xF, s0;
	p1 =	slt.s32 s1, $0x1  }
0x105: {  	s26 =	sshra.s32 s1, $0x1F;
	p6 =	sne.s32 s0, $0x0;
	p1 =	por p2, p1  }
0x106: {  	[tilespmem:v3+s18+$0x0] =	vst.idx.msk vm3, v4;
	s31 =	sshrl.u32 s26, $0x1C;
	p1 =	por !p6, !p1  }
0x107: {  	[tilespmem:v18+s18+$0x0] =	vst.idx.msk vm1, v6;
	s0 =	sadd.s32 s31, s1;
	s1 =	simm.s32 $0x1;
	p1 =	por !p1, !p1  }
0x108: {  	[tilespmem:v17+s18+$0x0] =	vst.idx.msk vm6, v11;
	s0 =	sshra.s32 s0, $0x4;
	s1 =	simm.s32 @!p1 $0x0  }
0x109: {  	[tilespmem:v50+s18+$0x0] =	vst.idx.msk vm4, v5;
	s3 =	ssub.s32 s0, s1  }
0x10a: {  	[tilespmem:v24+s18+$0x0] =	vst.idx.msk vm7, v7;
	p1 =	slt.s32 s3, $0x1  }
.Ltmp6:
0x10b: {  	[tilespmem:v55+s18+$0x0] =	vst.idx.msk vm8, v8;
	(pc) =	sbr.rel @p1 .LBB2_13-.Ltmp6, $4  }
0x10c: {  	[tilespmem:v56+s18+$0x0] =	vst.idx.msk vm9, v10  }
0x10d: {  	[tilespmem:v25+s18+$0x0] =	vst.idx.msk vm10, v9  }
0x10e: {  	[tilespmem:v58+s18+$0x0] =	vst.idx.msk vm11, v12  }
0x10f: {  	v4 =	vlaneseq.u32;
	v5 =	vimm.f32 $-Inf;
	[tilespmem:v19+s18+$0x0] =	vst.idx.msk vm2, v13  }
0x110: {  	p2 =	sne.s32 s3, $0x1  }
.Ltmp7:
0x111: {  	_ = 	snop;
	(pc) =	sbr.rel @!p2 .LBB2_8-.Ltmp7, $4  }
0x112: {  	_ = 	snop  }
0x113: {  	s0 =	simm.s32 $0x50A0  }
0x114: {  	v6 =	vld [tilespmem:s0+$0xFFFFEFE0]  }
0x115: {  	v3 =	vmov s30;
	s1 =	simm.s32 $0x0;
	s3 =	sadd.s32 $0xFFFFFFFF, s3;
	p1 =	por $0x0, $0x0  }
0x116: {  	_ =	sdelay $0x1  }
0x117: {  	v7 =	vor.u32 s1, v1  }
0x118: {  	vm1 =	vlt.s32 v7, v16;
	v8 =	vadd.s32 v3, v6  }
0x119: {  	v8 =	vnsel vm1, $0x4000, v8;
	_ =	sdelay $0x4  }
0x11a: {  	v8 =	vld.idx.msk [tilespmem:v8+s2+$0x0], $0xffff;
	_ =	sdelay $0x3  }
0x11b: {  	v6 =	vnsel vm1, $0x4000, v6  }
0x11c: {  	v9 =	vld [tilespmem:s0+$0xFFFFF7F0];
	(xrf1) =	vsort.ascd.msk.f32 $0xffff, v8, v6;
	_ =	sdelay $0x4  }
0x11d: {  	vm1 =	vlt.s32 v7, v15;
	v6 =	vadd.s32 v3, v9  }
0x11e: {  	v6 =	vnsel vm1, $0x4000, v6;
	_ =	sdelay $0x4  }
0x11f: {  	v6 =	vld.idx.msk [tilespmem:v6+s2+$0x0], $0xffff;
	_ =	sdelay $0x2  }
0x120: {  	v8, v10, _ =	vpop (xrf1)  }
0x121: {  	v9 =	vnsel vm1, $0x4000, v9;
	vm2 =	vge.f32 v5, v8  }
0x122: {  	(xrf1) =	vsort.ascd.msk.f32 $0xffff, v6, v9;
	v8 =	vsel vm2, v5, v8;
	v10 =	vsel vm2, v4, v10  }
0x123: {  	v6 =	vld [tilespmem:s0+$0x0];
	(xrf1) =	vsort.dscd.msk.f32 $0xffff, v8, v10;
	_ =	sdelay $0x4  }
0x124: {  	vm1 =	vlt.s32 v7, v14;
	v8 =	vadd.s32 v3, v6  }
0x125: {  	v8 =	vnsel vm1, $0x4000, v8;
	_ =	sdelay $0x4  }
0x126: {  	v8 =	vld.idx.msk [tilespmem:v8+s2+$0x0], $0xffff;
	_ =	sdelay $0x1  }
0x127: {  	v9, v61, _ =	vpop (xrf1)  }
0x128: {  	v11, v12, _ =	vpop (xrf1)  }
0x129: {  	v6 =	vnsel vm1, $0x4000, v6;
	vm2 =	vge.f32 v11, v9  }
0x12a: {  	(xrf1) =	vsort.ascd.msk.f32 $0xffff, v8, v6;
	v9 =	vsel vm2, v11, v9;
	v10 =	vsel vm2, v12, v61  }
0x12b: {  	v6 =	vld [tilespmem:s0+$0x810];
	(xrf1) =	vsort.dscd.msk.f32 $0xffff, v9, v10;
	_ =	sdelay $0x4  }
0x12c: {  	vm1 =	vlt.s32 v7, v2;
	v7 =	vadd.s32 v3, v6  }
0x12d: {  	v7 =	vnsel vm1, $0x4000, v7;
	_ =	sdelay $0x4  }
0x12e: {  	v7 =	vld.idx.msk [tilespmem:v7+s2+$0x0], $0xffff;
	_ =	sdelay $0x1  }
0x12f: {  	p2 =	sne.s32 s3, $0x1;
	v8, v62, _ =	vpop (xrf1)  }
.Ltmp8:
0x130: {  	v10, v63, _ =	vpop (xrf1);
	(pc) =	sbr.rel @!p2 .LBB2_10-.Ltmp8, $4  }
0x131: {  	v6 =	vnsel vm1, $0x4000, v6;
	vm2 =	vge.f32 v10, v8  }
0x132: {  	s0 =	simm.s32 $0x50B0;
	(xrf1) =	vsort.ascd.msk.f32 $0xffff, v7, v6;
	v8 =	vsel vm2, v10, v8;
	v9 =	vsel vm2, v63, v62  }
0x133: {  	v6 =	vld [tilespmem:s0+$0xFFFFEFE0];
	(xrf1) =	vsort.dscd.msk.f32 $0xffff, v8, v9  }
0x134: {  	s5 =	sadd.s32 $0xFFFFFFFF, s3;
	p1 =	por $0x1, $0x1;
	s4 =	simm.s32 $0x0  }
.LBB2_11:
0x135: {  	p2 =	sne.s32 s5, $0x1  }
0x136: {  	s4 =	sadd.s32 $0x10, s4  }
0x137: {  	v7 =	vor.u32 s4, v1  }
0x138: {  	v8 =	vadd.s32 v3, v6;
	vm1 =	vlt.s32 v7, v16  }
0x139: {  	v8 =	vnsel vm1, $0x4000, v8;
	_ =	sdelay $0x4  }
0x13a: {  	v8 =	vld.idx.msk [tilespmem:v8+s2+$0x0], $0xffff;
	_ =	sdelay $0x2  }
0x13b: {  	v9, v10, _ =	vpop (xrf1)  }
0x13c: {  	v11, v12, _ =	vpop (xrf1)  }
0x13d: {  	v6 =	vnsel vm1, $0x4000, v6;
	vm1 =	vge.f32 v11, v9  }
0x13e: {  	v13 =	vld [tilespmem:s0+$0xFFFFF7F0];
	(xrf1) =	vsort.ascd.msk.f32 $0xffff, v8, v6;
	v6 =	vsel vm1, v11, v9;
	v8 =	vsel vm1, v12, v10  }
0x13f: {  	(xrf1) =	vsort.dscd.msk.f32 $0xffff, v6, v8;
	_ =	sdelay $0x3  }
0x140: {  	vm1 =	vlt.s32 v7, v15;
	v6 =	vadd.s32 v3, v13  }
0x141: {  	v6 =	vnsel vm1, $0x4000, v6;
	_ =	sdelay $0x4  }
0x142: {  	v6 =	vld.idx.msk [tilespmem:v6+s2+$0x0], $0xffff;
	_ =	sdelay $0x2  }
0x143: {  	v8, v9, _ =	vpop (xrf1)  }
0x144: {  	v10, v11, _ =	vpop (xrf1)  }
0x145: {  	v12 =	vnsel vm1, $0x4000, v13;
	vm2 =	vge.f32 v10, v8  }
0x146: {  	v8 =	vsel vm2, v10, v8;
	v9 =	vsel vm2, v11, v9;
	v10 =	vld [tilespmem:s0+$0x0];
	(xrf1) =	vsort.ascd.msk.f32 $0xffff, v6, v12  }
0x147: {  	(xrf1) =	vsort.dscd.msk.f32 $0xffff, v8, v9;
	_ =	sdelay $0x3  }
0x148: {  	vm1 =	vlt.s32 v7, v14;
	v6 =	vadd.s32 v3, v10  }
0x149: {  	v6 =	vnsel vm1, $0x4000, v6;
	_ =	sdelay $0x4  }
0x14a: {  	v6 =	vld.idx.msk [tilespmem:v6+s2+$0x0], $0xffff;
	_ =	sdelay $0x2  }
0x14b: {  	v8, v9, _ =	vpop (xrf1)  }
0x14c: {  	v11, v12, _ =	vpop (xrf1)  }
0x14d: {  	v10 =	vnsel vm1, $0x4000, v10;
	vm2 =	vge.f32 v11, v8  }
0x14e: {  	v8 =	vsel vm2, v11, v8;
	v9 =	vsel vm2, v12, v9;
	v11 =	vld [tilespmem:s0+$0x810];
	(xrf1) =	vsort.ascd.msk.f32 $0xffff, v6, v10  }
0x14f: {  	(xrf1) =	vsort.dscd.msk.f32 $0xffff, v8, v9;
	_ =	sdelay $0x3  }
0x150: {  	vm1 =	vlt.s32 v7, v2;
	v6 =	vadd.s32 v3, v11  }
0x151: {  	v6 =	vnsel vm1, $0x4000, v6;
	_ =	sdelay $0x4  }
0x152: {  	v7 =	vld.idx.msk [tilespmem:v6+s2+$0x0], $0xffff;
	_ =	sdelay $0x2  }
.Ltmp9:
0x153: {  	v8, v9, _ =	vpop (xrf1);
	(pc) =	sbr.rel @p2 .LBB2_11-.Ltmp9, $4  }
0x154: {  	v10, v12, _ =	vpop (xrf1)  }
0x155: {  	s0 =	sadd.s32 $0x10, s0;
	v11 =	vnsel vm1, $0x4000, v11;
	vm2 =	vge.f32 v10, v8  }
0x156: {  	v6 =	vld [tilespmem:s0+$0xFFFFEFE0];
	v8 =	vsel vm2, v10, v8;
	v9 =	vsel vm2, v12, v9;
	(xrf1) =	vsort.ascd.msk.f32 $0xffff, v7, v11  }
0x157: {  	s5 =	sadd.s32 $0xFFFFFFFF, s5;
	(xrf1) =	vsort.dscd.msk.f32 $0xffff, v8, v9  }
.Ltmp10:
0x158: {  	_ = 	snop;
	(pc) =	sbr.rel .LBB2_12-.Ltmp10, $1  }
0x159: {  	_ =	sdelay $0x3  }
.LBB2_10:
.Ltmp11:
0x15a: {  	(pc) =	sbr.rel .LBB2_12-.Ltmp11, $2  }
0x15b: {  	_ =	sdelay $0x2  }
0x15c: {  	s4 =	simm.s32 $0x0  }
.LBB2_15:
0x15d: {  	_ =	sfence.sel $0x180000  }
0x15e: {  	[bflag:$0x0] =	sbarrier.arrive $0xFFFF  }
0x15f: {  	_ =	strace $0x90000047  }
0x160: {  	s0 =	stileid.u32;
	[bflag:$0x2] =	sbarrier.arrive $0xFFFF  }
0x161: {  	p0 =	sne.s32 s0, $0x0;
	s0 =	rddreg [dreg:$0x3]  }
0x162: {  	s0 =	sadd.s32 @!p0 $0x100000, s0  }
0x163: {  	[sflag:s0] =	ssyncadd.tile.s32 @!p0 $0x1;
	_ =	shalt  }
.Lfunc_end2:
_tile_overlayer_lowered:
.L_overlay_start_2:
0x164: {  	(tag) =	ssettag $0x2  }
0x165: {  	s0 =	rddreg [dreg:$0x0];
	s2 =	stileid.u32  }
0x166: {  	s1 =	rddreg [dreg:$0x1];
	p0 =	sne.s32 s2, $0x0  }
0x167: {  	s3 =	rddreg [dreg:$0x2];
	[bflag:$0x3] =	sbarrier.arrive $0xFFFF;
	s2 =	simm.s32 @!p0 $0x1C08  }
0x168: {  	[timem:s3], [sflag:s2] =	dma.local @!p0 [hbm:s0], s1  }
0x169: {  	s0 =	simm.s32 @!p0 $0x8  }
0x16a: {  	_ =	swait.ge @!p0 [sflag:s0], s1  }
0x16b: {  	s1 =	ssub.s32 @!p0 $0x0, s1;
	[sflag:s0] =	ssyncset.done @!p0 $0x0  }
0x16c: {  	[sflag:s0] =	ssyncadd.s32 @!p0 s1  }
0x16d: {  	[bflag:$0x3] =	sbarrier.arrive $0xFFFF  }
0x16e: {  	_ =	shalt  }

</sc_bundles>
